<compile_context>
chip_gen: v7x
topology: tpu7x:2x2x1
jax: 0.10.2.dev20260603
libtpu: 0.0.44.dev20260713+nightly
codegen_flags: <defaults>
</compile_context>

<pallas_src>
import functools

import jax
import jax.numpy as jnp
from jax import lax
from jax.experimental import pallas as pl
from jax.experimental.pallas import tpu as pltpu
from jax.experimental.pallas import tpu_sc as plsc

NC = 2
NS = 16
NW = NC * NS

B_CHUNK = 256
N_LGRP = 8
N_BGRP = NW // N_LGRP


def _make_kernel(B, L, V, E, LP):
    E2 = 2 * E
    l_per_w = L // N_LGRP
    b_per_w = B // N_BGRP
    n_chunk = b_per_w // B_CHUNK
    mesh = plsc.VectorSubcoreMesh(core_axis_name="c", subcore_axis_name="s")

    @functools.partial(
        pl.kernel,
        mesh=mesh,
        out_type=jax.ShapeDtypeStruct((L, B, E2), jnp.float32),
        scratch_types=[
            pltpu.VMEM((B_CHUNK,), jnp.int32),
            pltpu.VMEM((B_CHUNK,), jnp.int32),
            pltpu.VMEM((B_CHUNK,), jnp.int32),
            pltpu.VMEM((B_CHUNK,), jnp.int32),
            pltpu.VMEM((B_CHUNK, E2), jnp.float32),
            pltpu.VMEM((B_CHUNK, E2), jnp.float32),
            pltpu.VMEM((B_CHUNK, E2), jnp.float32),
            pltpu.VMEM_SHARED((NS, 128, E2), jnp.float32),
            pltpu.SemaphoreType.DMA,
            pltpu.SemaphoreType.DMA,
            pltpu.SemaphoreType.DMA,
        ],
        compiler_params=pltpu.CompilerParams(use_tc_tiling_on_sc=True),
    )
    def k(srcT, wt_pad, pos_pad, out,
          idx_a, idx_b, idx_c, lidx_v, buf_a, buf_b, buf_c, posrep_sh,
          sem_a, sem_b, sem_c):
        sid = lax.axis_index("s")
        wid = sid * NC + lax.axis_index("c")
        lg = wid // N_BGRP
        bg = wid % N_BGRP
        idx = (idx_a, idx_b, idx_c)
        buf = (buf_a, buf_b, buf_c)
        sem = (sem_a, sem_b, sem_c)
        posrep = posrep_sh.at[sid]

        def l_body(li, c0):
            l = lg * l_per_w + li
            for q in range(B_CHUNK // 16):
                lidx_v[pl.ds(q * 16, 16)] = jnp.full((16,), l, jnp.int32)
            pltpu.async_copy(pos_pad.at[lidx_v.at[pl.ds(0, 128)]],
                             buf_a.at[pl.ds(0, 128)], sem_a).wait()
            pltpu.sync_copy(buf_a.at[pl.ds(0, 128)], posrep)

            def start(ci, p):
                b0 = bg * b_per_w + ci * B_CHUNK
                pltpu.sync_copy(srcT.at[l, pl.ds(b0, B_CHUNK)], idx[p])
                for h in range(B_CHUNK // 128):
                    pltpu.sync_copy(posrep, buf[p].at[pl.ds(h * 128, 128)])
                return pltpu.async_copy(wt_pad.at[idx[p]], buf[p], sem[p],
                                        add=True)

            def flush(ci, p, cp):
                b0 = bg * b_per_w + ci * B_CHUNK
                cp.wait()
                pltpu.sync_copy(buf[p], out.at[l, pl.ds(b0, B_CHUNK)])

            cps = [None] * n_chunk
            cps[0] = start(0, 0)
            cps[1] = start(1, 1)
            for ci in range(2, n_chunk):
                flush(ci - 2, (ci - 2) % 3, cps[ci - 2])
                cps[ci] = start(ci, ci % 3)
            flush(n_chunk - 2, (n_chunk - 2) % 3, cps[n_chunk - 2])
            flush(n_chunk - 1, (n_chunk - 1) % 3, cps[n_chunk - 1])
            return c0

        lax.fori_loop(0, l_per_w, l_body, 0)

    return k


def kernel(src, seg, word_table, pos_table):
    B, L = src.shape
    V, E = word_table.shape
    LP = pos_table.shape[0]
    srcT = src.T.astype(jnp.int32)
    wt_pad = jnp.pad(word_table, ((0, 0), (0, E)))
    pos_pad = jnp.pad(pos_table, ((0, 0), (0, E)))
    out = _make_kernel(B, L, V, E, LP)(srcT, wt_pad, pos_pad)
    return out[:, :, :E].transpose(1, 0, 2)

# --- scband reference (transcript-rebuilt; emitter-appended) ---
"""Pipeline reference for scband-word-pos-embedding-5746666242500 (READ-ONLY COPY).

The authoritative reference and input builder live on the scoring server;
editing this copy changes nothing except your own understanding.
"""

import jax, jax.numpy as jnp
import numpy as np

VOCAB = 1000000
EMB = 64
MAX_LEN = 512
B = 4096
L = 200

def setup_inputs(seed: int = 0) -> dict:
    key = jax.random.key(seed)
    k1, k2, k3 = jax.random.split(key, 3)
    src = jax.random.randint(k1, (B, L), 0, VOCAB, dtype=jnp.int64 if jax.config.jax_enable_x64 else jnp.int32)
    seg = jnp.zeros((B, L), dtype=src.dtype)
    word_table = jax.random.normal(k2, (VOCAB, EMB), dtype=jnp.float32) * 0.02
    pos_table = jax.random.normal(k3, (MAX_LEN, EMB), dtype=jnp.float32) * 0.02
    return {"src": src, "seg": seg, "word_table": word_table, "pos_table": pos_table}

def reference(src, seg, word_table, pos_table):
    # word embedding lookup (gather)
    word_emb = jnp.take(word_table, src, axis=0)          # [B, L, EMB]
    # position embedding: arange(L) repeated across batch
    pos_ids = jnp.arange(word_emb.shape[1], dtype=src.dtype)
    pos_emb = jnp.take(pos_table, pos_ids, axis=0)        # [L, EMB]
    pos_emb = jnp.broadcast_to(pos_emb[None, :, :], word_emb.shape)
    emb = word_emb + pos_emb
    # dropout is identity in eval mode
    return emb

if __name__ == "__main__":
    import jax
    _d = setup_inputs()
    print(jax.jit(kernel)(*tuple(_d.values())))

</pallas_src>

<mosaic_0001>
#map = affine_map<(d0, d1) -> (0, 0)>
#map1 = affine_map<(d0, d1) -> (0, 0, 0)>
module attributes {stable_mosaic.version = 14 : i64} {
  func.func @k(%arg0: i32, %arg1: i32, %arg2: memref<200x4096xi32, #tpu.memory_space<hbm>>, %arg3: memref<1000000x128xf32, #tpu.memory_space<hbm>>, %arg4: memref<512x128xf32, #tpu.memory_space<hbm>>, %arg5: memref<200x4096x128xf32, #tpu.memory_space<hbm>>, %arg6: memref<256xi32, #tpu.memory_space<vmem>>, %arg7: memref<256xi32, #tpu.memory_space<vmem>>, %arg8: memref<256xi32, #tpu.memory_space<vmem>>, %arg9: memref<256xi32, #tpu.memory_space<vmem>>, %arg10: memref<256x128xf32, #tpu.memory_space<vmem>>, %arg11: memref<256x128xf32, #tpu.memory_space<vmem>>, %arg12: memref<256x128xf32, #tpu.memory_space<vmem>>, %arg13: memref<16x128x128xf32, #tpu.memory_space<vmem_shared>>, %arg14: memref<!tpu.dma_semaphore, #tpu.memory_space<semaphore_mem>>, %arg15: memref<!tpu.dma_semaphore, #tpu.memory_space<semaphore_mem>>, %arg16: memref<!tpu.dma_semaphore, #tpu.memory_space<semaphore_mem>>) attributes {dimension_semantics = [#tpu.dimension_semantics<core_parallel>, #tpu.dimension_semantics<subcore_parallel>], iteration_bounds = array<i64: 2, 16>, scalar_prefetch = 0 : i64, scratch_operands = 11 : i64, tpu.core_type = #tpu.core_type<sc_vector_subcore>, window_params = [{transform_indices = #map}, {transform_indices = #map}, {transform_indices = #map}, {transform_indices = #map1}]} {
    %mul3A = arith.constant 2 : i32
    %mul3A_0 = arith.muli %arg1, %mul3A : i32
    %add3A = arith.addi %mul3A_0, %arg0 : i32
    %jit3A = arith.constant 4 : i32
    %div3A = arith.divsi %add3A, %jit3A : i32
    %sign3A = arith.constant 0 : i32
    %sign3A_1 = arith.cmpi sgt, %add3A, %sign3A : i32
    %sign3A_2 = arith.extui %sign3A_1 : i1 to i32
    %sign3A_3 = arith.constant 0 : i32
    %sign3A_4 = arith.cmpi slt, %add3A, %sign3A_3 : i32
    %sign3A_5 = arith.extui %sign3A_4 : i1 to i32
    %sign3A_6 = arith.subi %sign3A_2, %sign3A_5 : i32
    %sign3A_7 = arith.constant 0 : i32
    %sign3A_8 = arith.cmpi sgt, %jit3A, %sign3A_7 : i32
    %sign3A_9 = arith.extui %sign3A_8 : i1 to i32
    %sign3A_10 = arith.constant 0 : i32
    %sign3A_11 = arith.cmpi slt, %jit3A, %sign3A_10 : i32
    %sign3A_12 = arith.extui %sign3A_11 : i1 to i32
    %sign3A_13 = arith.subi %sign3A_9, %sign3A_12 : i32
    %ne3A = arith.cmpi ne, %sign3A_6, %sign3A_13 : i32
    %rem3A = arith.remsi %add3A, %jit3A : i32
    %ne3A_14 = arith.constant 0 : i32
    %ne3A_15 = arith.cmpi ne, %rem3A, %ne3A_14 : i32
    %and3A = arith.andi %ne3A, %ne3A_15 : i1
    %sub3A = arith.constant 1 : i32
    %sub3A_16 = arith.subi %div3A, %sub3A : i32
    %select_n3A = arith.select %and3A, %sub3A_16, %div3A : i32
    %jit3A_17 = arith.constant 4 : i32
    %eq3A = arith.constant 0 : i32
    %eq3A_18 = arith.cmpi eq, %jit3A_17, %eq3A : i32
    %jit3A_19 = arith.constant 1 : i32
    %select_n3A_20 = arith.select %eq3A_18, %jit3A_19, %jit3A_17 : i32
    %rem3A_21 = arith.remsi %add3A, %select_n3A_20 : i32
    %ne3A_22 = arith.constant 0 : i32
    %ne3A_23 = arith.cmpi ne, %rem3A_21, %ne3A_22 : i32
    %lt3A = arith.constant 0 : i32
    %lt3A_24 = arith.cmpi slt, %rem3A_21, %lt3A : i32
    %lt3A_25 = arith.constant 0 : i32
    %lt3A_26 = arith.cmpi slt, %select_n3A_20, %lt3A_25 : i32
    %ne3A_27 = arith.xori %lt3A_24, %lt3A_26 : i1
    %and3A_28 = arith.andi %ne3A_27, %ne3A_23 : i1
    %add3A_29 = arith.addi %rem3A_21, %select_n3A_20 : i32
    %select_n3A_30 = arith.select %and3A_28, %add3A_29, %rem3A_21 : i32
    %scan3A = arith.constant 0 : i32
    %scan3A_31 = arith.constant 0 : i32
    %scan3A_32 = arith.constant 25 : i32
    %scan3A_33 = arith.addi %scan3A_31, %scan3A_32 : i32
    %scan3A_34 = arith.constant 1 : i32
    scf.for %scan3A_36 = %scan3A_31 to %scan3A_33 step %scan3A_34  : i32 {
      %mul3A_37 = arith.constant 25 : i32
      %mul3A_38 = arith.muli %select_n3A, %mul3A_37 : i32
      %add3A_39 = arith.addi %mul3A_38, %scan3A_36 : i32
      %broadcast_in_dim3A = vector.broadcast %add3A_39 : i32 to vector<16xi32>
      %swap3A = arith.constant 0 : index
      %swap3A_40 = tpu.vector_load %arg9[%swap3A] {strides = array<i32>} : memref<256xi32, #tpu.memory_space<vmem>>, vector<16xi32>,
      %swap3A_41 = vector.shape_cast %swap3A_40 : vector<16xi32> to vector<16xi32>
      %swap3A_42 = vector.shape_cast %broadcast_in_dim3A : vector<16xi32> to vector<16xi32>
      tpu.vector_store %arg9[%swap3A], %swap3A_42 {strides = array<i32>} : memref<256xi32, #tpu.memory_space<vmem>>, vector<16xi32>,
      %broadcast_in_dim3A_43 = vector.broadcast %add3A_39 : i32 to vector<16xi32>
      %swap3A_44 = arith.constant 16 : index
      %swap3A_45 = tpu.vector_load %arg9[%swap3A_44] {strides = array<i32>} : memref<256xi32, #tpu.memory_space<vmem>>, vector<16xi32>,
      %swap3A_46 = vector.shape_cast %swap3A_45 : vector<16xi32> to vector<16xi32>
      %swap3A_47 = vector.shape_cast %broadcast_in_dim3A_43 : vector<16xi32> to vector<16xi32>
      tpu.vector_store %arg9[%swap3A_44], %swap3A_47 {strides = array<i32>} : memref<256xi32, #tpu.memory_space<vmem>>, vector<16xi32>,
      %broadcast_in_dim3A_48 = vector.broadcast %add3A_39 : i32 to vector<16xi32>
      %swap3A_49 = arith.constant 32 : index
      %swap3A_50 = tpu.vector_load %arg9[%swap3A_49] {strides = array<i32>} : memref<256xi32, #tpu.memory_space<vmem>>, vector<16xi32>,
      %swap3A_51 = vector.shape_cast %swap3A_50 : vector<16xi32> to vector<16xi32>
      %swap3A_52 = vector.shape_cast %broadcast_in_dim3A_48 : vector<16xi32> to vector<16xi32>
      tpu.vector_store %arg9[%swap3A_49], %swap3A_52 {strides = array<i32>} : memref<256xi32, #tpu.memory_space<vmem>>, vector<16xi32>,
      %broadcast_in_dim3A_53 = vector.broadcast %add3A_39 : i32 to vector<16xi32>
      %swap3A_54 = arith.constant 48 : index
      %swap3A_55 = tpu.vector_load %arg9[%swap3A_54] {strides = array<i32>} : memref<256xi32, #tpu.memory_space<vmem>>, vector<16xi32>,
      %swap3A_56 = vector.shape_cast %swap3A_55 : vector<16xi32> to vector<16xi32>
      %swap3A_57 = vector.shape_cast %broadcast_in_dim3A_53 : vector<16xi32> to vector<16xi32>
      tpu.vector_store %arg9[%swap3A_54], %swap3A_57 {strides = array<i32>} : memref<256xi32, #tpu.memory_space<vmem>>, vector<16xi32>,
      %broadcast_in_dim3A_58 = vector.broadcast %add3A_39 : i32 to vector<16xi32>
      %swap3A_59 = arith.constant 64 : index
      %swap3A_60 = tpu.vector_load %arg9[%swap3A_59] {strides = array<i32>} : memref<256xi32, #tpu.memory_space<vmem>>, vector<16xi32>,
      %swap3A_61 = vector.shape_cast %swap3A_60 : vector<16xi32> to vector<16xi32>
      %swap3A_62 = vector.shape_cast %broadcast_in_dim3A_58 : vector<16xi32> to vector<16xi32>
      tpu.vector_store %arg9[%swap3A_59], %swap3A_62 {strides = array<i32>} : memref<256xi32, #tpu.memory_space<vmem>>, vector<16xi32>,
      %broadcast_in_dim3A_63 = vector.broadcast %add3A_39 : i32 to vector<16xi32>
      %swap3A_64 = arith.constant 80 : index
      %swap3A_65 = tpu.vector_load %arg9[%swap3A_64] {strides = array<i32>} : memref<256xi32, #tpu.memory_space<vmem>>, vector<16xi32>,
      %swap3A_66 = vector.shape_cast %swap3A_65 : vector<16xi32> to vector<16xi32>
      %swap3A_67 = vector.shape_cast %broadcast_in_dim3A_63 : vector<16xi32> to vector<16xi32>
      tpu.vector_store %arg9[%swap3A_64], %swap3A_67 {strides = array<i32>} : memref<256xi32, #tpu.memory_space<vmem>>, vector<16xi32>,
      %broadcast_in_dim3A_68 = vector.broadcast %add3A_39 : i32 to vector<16xi32>
      %swap3A_69 = arith.constant 96 : index
      %swap3A_70 = tpu.vector_load %arg9[%swap3A_69] {strides = array<i32>} : memref<256xi32, #tpu.memory_space<vmem>>, vector<16xi32>,
      %swap3A_71 = vector.shape_cast %swap3A_70 : vector<16xi32> to vector<16xi32>
      %swap3A_72 = vector.shape_cast %broadcast_in_dim3A_68 : vector<16xi32> to vector<16xi32>
      tpu.vector_store %arg9[%swap3A_69], %swap3A_72 {strides = array<i32>} : memref<256xi32, #tpu.memory_space<vmem>>, vector<16xi32>,
      %broadcast_in_dim3A_73 = vector.broadcast %add3A_39 : i32 to vector<16xi32>
      %swap3A_74 = arith.constant 112 : index
      %swap3A_75 = tpu.vector_load %arg9[%swap3A_74] {strides = array<i32>} : memref<256xi32, #tpu.memory_space<vmem>>, vector<16xi32>,
      %swap3A_76 = vector.shape_cast %swap3A_75 : vector<16xi32> to vector<16xi32>
      %swap3A_77 = vector.shape_cast %broadcast_in_dim3A_73 : vector<16xi32> to vector<16xi32>
      tpu.vector_store %arg9[%swap3A_74], %swap3A_77 {strides = array<i32>} : memref<256xi32, #tpu.memory_space<vmem>>, vector<16xi32>,
      %broadcast_in_dim3A_78 = vector.broadcast %add3A_39 : i32 to vector<16xi32>
      %swap3A_79 = arith.constant 128 : index
      %swap3A_80 = tpu.vector_load %arg9[%swap3A_79] {strides = array<i32>} : memref<256xi32, #tpu.memory_space<vmem>>, vector<16xi32>,
      %swap3A_81 = vector.shape_cast %swap3A_80 : vector<16xi32> to vector<16xi32>
      %swap3A_82 = vector.shape_cast %broadcast_in_dim3A_78 : vector<16xi32> to vector<16xi32>
      tpu.vector_store %arg9[%swap3A_79], %swap3A_82 {strides = array<i32>} : memref<256xi32, #tpu.memory_space<vmem>>, vector<16xi32>,
      %broadcast_in_dim3A_83 = vector.broadcast %add3A_39 : i32 to vector<16xi32>
      %swap3A_84 = arith.constant 144 : index
      %swap3A_85 = tpu.vector_load %arg9[%swap3A_84] {strides = array<i32>} : memref<256xi32, #tpu.memory_space<vmem>>, vector<16xi32>,
      %swap3A_86 = vector.shape_cast %swap3A_85 : vector<16xi32> to vector<16xi32>
      %swap3A_87 = vector.shape_cast %broadcast_in_dim3A_83 : vector<16xi32> to vector<16xi32>
      tpu.vector_store %arg9[%swap3A_84], %swap3A_87 {strides = array<i32>} : memref<256xi32, #tpu.memory_space<vmem>>, vector<16xi32>,
      %broadcast_in_dim3A_88 = vector.broadcast %add3A_39 : i32 to vector<16xi32>
      %swap3A_89 = arith.constant 160 : index
      %swap3A_90 = tpu.vector_load %arg9[%swap3A_89] {strides = array<i32>} : memref<256xi32, #tpu.memory_space<vmem>>, vector<16xi32>,
      %swap3A_91 = vector.shape_cast %swap3A_90 : vector<16xi32> to vector<16xi32>
      %swap3A_92 = vector.shape_cast %broadcast_in_dim3A_88 : vector<16xi32> to vector<16xi32>
      tpu.vector_store %arg9[%swap3A_89], %swap3A_92 {strides = array<i32>} : memref<256xi32, #tpu.memory_space<vmem>>, vector<16xi32>,
      %broadcast_in_dim3A_93 = vector.broadcast %add3A_39 : i32 to vector<16xi32>
      %swap3A_94 = arith.constant 176 : index
      %swap3A_95 = tpu.vector_load %arg9[%swap3A_94] {strides = array<i32>} : memref<256xi32, #tpu.memory_space<vmem>>, vector<16xi32>,
      %swap3A_96 = vector.shape_cast %swap3A_95 : vector<16xi32> to vector<16xi32>
      %swap3A_97 = vector.shape_cast %broadcast_in_dim3A_93 : vector<16xi32> to vector<16xi32>
      tpu.vector_store %arg9[%swap3A_94], %swap3A_97 {strides = array<i32>} : memref<256xi32, #tpu.memory_space<vmem>>, vector<16xi32>,
      %broadcast_in_dim3A_98 = vector.broadcast %add3A_39 : i32 to vector<16xi32>
      %swap3A_99 = arith.constant 192 : index
      %swap3A_100 = tpu.vector_load %arg9[%swap3A_99] {strides = array<i32>} : memref<256xi32, #tpu.memory_space<vmem>>, vector<16xi32>,
      %swap3A_101 = vector.shape_cast %swap3A_100 : vector<16xi32> to vector<16xi32>
      %swap3A_102 = vector.shape_cast %broadcast_in_dim3A_98 : vector<16xi32> to vector<16xi32>
      tpu.vector_store %arg9[%swap3A_99], %swap3A_102 {strides = array<i32>} : memref<256xi32, #tpu.memory_space<vmem>>, vector<16xi32>,
      %broadcast_in_dim3A_103 = vector.broadcast %add3A_39 : i32 to vector<16xi32>
      %swap3A_104 = arith.constant 208 : index
      %swap3A_105 = tpu.vector_load %arg9[%swap3A_104] {strides = array<i32>} : memref<256xi32, #tpu.memory_space<vmem>>, vector<16xi32>,
      %swap3A_106 = vector.shape_cast %swap3A_105 : vector<16xi32> to vector<16xi32>
      %swap3A_107 = vector.shape_cast %broadcast_in_dim3A_103 : vector<16xi32> to vector<16xi32>
      tpu.vector_store %arg9[%swap3A_104], %swap3A_107 {strides = array<i32>} : memref<256xi32, #tpu.memory_space<vmem>>, vector<16xi32>,
      %broadcast_in_dim3A_108 = vector.broadcast %add3A_39 : i32 to vector<16xi32>
      %swap3A_109 = arith.constant 224 : index
      %swap3A_110 = tpu.vector_load %arg9[%swap3A_109] {strides = array<i32>} : memref<256xi32, #tpu.memory_space<vmem>>, vector<16xi32>,
      %swap3A_111 = vector.shape_cast %swap3A_110 : vector<16xi32> to vector<16xi32>
      %swap3A_112 = vector.shape_cast %broadcast_in_dim3A_108 : vector<16xi32> to vector<16xi32>
      tpu.vector_store %arg9[%swap3A_109], %swap3A_112 {strides = array<i32>} : memref<256xi32, #tpu.memory_space<vmem>>, vector<16xi32>,
      %broadcast_in_dim3A_113 = vector.broadcast %add3A_39 : i32 to vector<16xi32>
      %swap3A_114 = arith.constant 240 : index
      %swap3A_115 = tpu.vector_load %arg9[%swap3A_114] {strides = array<i32>} : memref<256xi32, #tpu.memory_space<vmem>>, vector<16xi32>,
      %swap3A_116 = vector.shape_cast %swap3A_115 : vector<16xi32> to vector<16xi32>
      %swap3A_117 = vector.shape_cast %broadcast_in_dim3A_113 : vector<16xi32> to vector<16xi32>
      tpu.vector_store %arg9[%swap3A_114], %swap3A_117 {strides = array<i32>} : memref<256xi32, #tpu.memory_space<vmem>>, vector<16xi32>,
      %dma_start3A = arith.constant 0 : i32
      %dma_start3A_118 = arith.constant 0 : i32
      %dma_start3A_119 = tpu.memref_slice %arg10[%dma_start3A, %dma_start3A_118] : memref<256x128xf32, #tpu.memory_space<vmem>> -> memref<128x128xf32, #tpu.memory_space<vmem>>
      %dma_start3A_120 = arith.constant 0 : i32
      %dma_start3A_121 = tpu.memref_slice %arg9[%dma_start3A_120] : memref<256xi32, #tpu.memory_space<vmem>> -> memref<128xi32, #tpu.memory_space<vmem>>
      %dma_start3A_122 = arith.constant 0 : i32
      %dma_start3A_123 = arith.constant 0 : i32
      %dma_start3A_124 = tpu.memref_slice %arg4[%dma_start3A_122, %dma_start3A_123] : memref<512x128xf32, #tpu.memory_space<hbm>> -> memref<512x128xf32, #tpu.memory_space<hbm>>
      tpu.enqueue_indirect_dma source(%dma_start3A_124 : memref<512x128xf32, #tpu.memory_space<hbm>>) target(%dma_start3A_119 : memref<128x128xf32, #tpu.memory_space<vmem>>) offsets(%dma_start3A_121 : memref<128xi32, #tpu.memory_space<vmem>>) semaphore(%arg14 : memref<!tpu.dma_semaphore, #tpu.memory_space<semaphore_mem>>)
      %dma_wait3A = arith.constant 0 : i32
      %dma_wait3A_125 = arith.constant 0 : i32
      %dma_wait3A_126 = tpu.memref_slice %arg10[%dma_wait3A, %dma_wait3A_125] : memref<256x128xf32, #tpu.memory_space<vmem>> -> memref<128x128xf32, #tpu.memory_space<vmem>>
      %dma_wait3A_127 = arith.constant 0 : i32
      %dma_wait3A_128 = tpu.memref_slice %arg9[%dma_wait3A_127] : memref<256xi32, #tpu.memory_space<vmem>> -> memref<128xi32, #tpu.memory_space<vmem>>
      %dma_wait3A_129 = arith.constant 0 : i32
      %dma_wait3A_130 = arith.constant 0 : i32
      %dma_wait3A_131 = tpu.memref_slice %arg4[%dma_wait3A_129, %dma_wait3A_130] : memref<512x128xf32, #tpu.memory_space<hbm>> -> memref<512x128xf32, #tpu.memory_space<hbm>>
      tpu.wait_indirect_dma semaphore(%arg14 : memref<!tpu.dma_semaphore, #tpu.memory_space<semaphore_mem>>) src(%dma_wait3A_131 : memref<512x128xf32, #tpu.memory_space<hbm>>) dst(%dma_wait3A_126 : memref<128x128xf32, #tpu.memory_space<vmem>>)
      "tpu.region"() ({
        %run_scoped3A = tpu.sem_alloc : memref<!tpu.dma_semaphore, #tpu.memory_space<semaphore_mem>>
        %dma_start3A_188 = arith.constant 0 : i32
        %dma_start3A_189 = arith.constant 0 : i32
        %dma_start3A_190 = tpu.memref_slice %arg10[%dma_start3A_188, %dma_start3A_189] : memref<256x128xf32, #tpu.memory_space<vmem>> -> memref<128x128xf32, #tpu.memory_space<vmem>>
        %dma_start3A_191 = arith.constant 0 : i32
        %dma_start3A_192 = arith.constant 0 : i32
        %dma_start3A_193 = tpu.memref_slice %arg13[%arg1, %dma_start3A_191, %dma_start3A_192] : memref<16x128x128xf32, #tpu.memory_space<vmem_shared>> -> memref<1x128x128xf32, #tpu.memory_space<vmem_shared>>
        %dma_start3A_194 = tpu.memref_squeeze %dma_start3A_193 : memref<1x128x128xf32, #tpu.memory_space<vmem_shared>> -> memref<128x128xf32, #tpu.memory_space<vmem_shared>>
        %dma_start3A_195 = arith.constant 0 : i32
        %dma_start3A_196 = arith.constant 0 : i32
        %dma_start3A_197 = tpu.memref_slice %arg13[%arg1, %dma_start3A_195, %dma_start3A_196] : memref<16x128x128xf32, #tpu.memory_space<vmem_shared>> -> memref<1x128x128xf32, #tpu.memory_space<vmem_shared>>
        %dma_start3A_198 = tpu.memref_squeeze %dma_start3A_197 : memref<1x128x128xf32, #tpu.memory_space<vmem_shared>> -> memref<128x128xf32, #tpu.memory_space<vmem_shared>>
        %dma_start3A_199 = arith.constant 0 : i32
        %dma_start3A_200 = arith.constant 0 : i32
        %dma_start3A_201 = tpu.memref_slice %arg10[%dma_start3A_199, %dma_start3A_200] : memref<256x128xf32, #tpu.memory_space<vmem>> -> memref<128x128xf32, #tpu.memory_space<vmem>>
        tpu.enqueue_dma source(%dma_start3A_201 : memref<128x128xf32, #tpu.memory_space<vmem>>) target(%dma_start3A_198 : memref<128x128xf32, #tpu.memory_space<vmem_shared>>) target_semaphore(%run_scoped3A : memref<!tpu.dma_semaphore, #tpu.memory_space<semaphore_mem>>)
        %dma_wait3A_202 = arith.constant 0 : i32
        %dma_wait3A_203 = arith.constant 0 : i32
        %dma_wait3A_204 = tpu.memref_slice %arg10[%dma_wait3A_202, %dma_wait3A_203] : memref<256x128xf32, #tpu.memory_space<vmem>> -> memref<128x128xf32, #tpu.memory_space<vmem>>
        %dma_wait3A_205 = arith.constant 0 : i32
        %dma_wait3A_206 = arith.constant 0 : i32
        %dma_wait3A_207 = tpu.memref_slice %arg13[%arg1, %dma_wait3A_205, %dma_wait3A_206] : memref<16x128x128xf32, #tpu.memory_space<vmem_shared>> -> memref<1x128x128xf32, #tpu.memory_space<vmem_shared>>
        %dma_wait3A_208 = tpu.memref_squeeze %dma_wait3A_207 : memref<1x128x128xf32, #tpu.memory_space<vmem_shared>> -> memref<128x128xf32, #tpu.memory_space<vmem_shared>>
        %dma_wait3A_209 = arith.constant 0 : i32
        %dma_wait3A_210 = arith.constant 0 : i32
        %dma_wait3A_211 = tpu.memref_slice %arg13[%arg1, %dma_wait3A_209, %dma_wait3A_210] : memref<16x128x128xf32, #tpu.memory_space<vmem_shared>> -> memref<1x128x128xf32, #tpu.memory_space<vmem_shared>>
        %dma_wait3A_212 = tpu.memref_squeeze %dma_wait3A_211 : memref<1x128x128xf32, #tpu.memory_space<vmem_shared>> -> memref<128x128xf32, #tpu.memory_space<vmem_shared>>
        %dma_wait3A_213 = arith.constant 0 : i32
        %dma_wait3A_214 = arith.constant 0 : i32
        %dma_wait3A_215 = tpu.memref_slice %arg10[%dma_wait3A_213, %dma_wait3A_214] : memref<256x128xf32, #tpu.memory_space<vmem>> -> memref<128x128xf32, #tpu.memory_space<vmem>>
        tpu.wait_dma2 semaphore(%run_scoped3A : memref<!tpu.dma_semaphore, #tpu.memory_space<semaphore_mem>>) src(%dma_wait3A_215 : memref<128x128xf32, #tpu.memory_space<vmem>>) dst(%dma_wait3A_212 : memref<128x128xf32, #tpu.memory_space<vmem_shared>>)
        tpu.yield
      }) : () -> ()
      %mul3A_132 = arith.constant 1024 : i32
      %mul3A_133 = arith.muli %select_n3A_30, %mul3A_132 : i32
      %add3A_134 = arith.constant 0 : i32
      %add3A_135 = arith.addi %mul3A_133, %add3A_134 : i32
      "tpu.region"() ({
        %run_scoped3A = tpu.sem_alloc : memref<!tpu.dma_semaphore, #tpu.memory_space<semaphore_mem>>
        %dma_start3A_188 = tpu.memref_slice %arg2[%add3A_39, %add3A_135] : memref<200x4096xi32, #tpu.memory_space<hbm>> -> memref<1x256xi32, #tpu.memory_space<hbm>>
        %dma_start3A_189 = tpu.memref_squeeze %dma_start3A_188 : memref<1x256xi32, #tpu.memory_space<hbm>> -> memref<256xi32, #tpu.memory_space<hbm>>
        %dma_start3A_190 = tpu.memref_slice %arg2[%add3A_39, %add3A_135] : memref<200x4096xi32, #tpu.memory_space<hbm>> -> memref<1x256xi32, #tpu.memory_space<hbm>>
        %dma_start3A_191 = tpu.memref_squeeze %dma_start3A_190 : memref<1x256xi32, #tpu.memory_space<hbm>> -> memref<256xi32, #tpu.memory_space<hbm>>
        tpu.enqueue_dma source(%dma_start3A_191 : memref<256xi32, #tpu.memory_space<hbm>>) target(%arg6 : memref<256xi32, #tpu.memory_space<vmem>>) target_semaphore(%run_scoped3A : memref<!tpu.dma_semaphore, #tpu.memory_space<semaphore_mem>>)
        %dma_wait3A_192 = tpu.memref_slice %arg2[%add3A_39, %add3A_135] : memref<200x4096xi32, #tpu.memory_space<hbm>> -> memref<1x256xi32, #tpu.memory_space<hbm>>
        %dma_wait3A_193 = tpu.memref_squeeze %dma_wait3A_192 : memref<1x256xi32, #tpu.memory_space<hbm>> -> memref<256xi32, #tpu.memory_space<hbm>>
        %dma_wait3A_194 = tpu.memref_slice %arg2[%add3A_39, %add3A_135] : memref<200x4096xi32, #tpu.memory_space<hbm>> -> memref<1x256xi32, #tpu.memory_space<hbm>>
        %dma_wait3A_195 = tpu.memref_squeeze %dma_wait3A_194 : memref<1x256xi32, #tpu.memory_space<hbm>> -> memref<256xi32, #tpu.memory_space<hbm>>
        tpu.wait_dma2 semaphore(%run_scoped3A : memref<!tpu.dma_semaphore, #tpu.memory_space<semaphore_mem>>) src(%dma_wait3A_195 : memref<256xi32, #tpu.memory_space<hbm>>) dst(%arg6 : memref<256xi32, #tpu.memory_space<vmem>>)
        tpu.yield
      }) : () -> ()
      "tpu.region"() ({
        %run_scoped3A = tpu.sem_alloc : memref<!tpu.dma_semaphore, #tpu.memory_space<semaphore_mem>>
        %dma_start3A_188 = arith.constant 0 : i32
        %dma_start3A_189 = arith.constant 0 : i32
        %dma_start3A_190 = tpu.memref_slice %arg10[%dma_start3A_188, %dma_start3A_189] : memref<256x128xf32, #tpu.memory_space<vmem>> -> memref<128x128xf32, #tpu.memory_space<vmem>>
        %dma_start3A_191 = arith.constant 0 : i32
        %dma_start3A_192 = arith.constant 0 : i32
        %dma_start3A_193 = tpu.memref_slice %arg13[%arg1, %dma_start3A_191, %dma_start3A_192] : memref<16x128x128xf32, #tpu.memory_space<vmem_shared>> -> memref<1x128x128xf32, #tpu.memory_space<vmem_shared>>
        %dma_start3A_194 = tpu.memref_squeeze %dma_start3A_193 : memref<1x128x128xf32, #tpu.memory_space<vmem_shared>> -> memref<128x128xf32, #tpu.memory_space<vmem_shared>>
        %dma_start3A_195 = arith.constant 0 : i32
        %dma_start3A_196 = arith.constant 0 : i32
        %dma_start3A_197 = tpu.memref_slice %arg10[%dma_start3A_195, %dma_start3A_196] : memref<256x128xf32, #tpu.memory_space<vmem>> -> memref<128x128xf32, #tpu.memory_space<vmem>>
        %dma_start3A_198 = arith.constant 0 : i32
        %dma_start3A_199 = arith.constant 0 : i32
        %dma_start3A_200 = tpu.memref_slice %arg13[%arg1, %dma_start3A_198, %dma_start3A_199] : memref<16x128x128xf32, #tpu.memory_space<vmem_shared>> -> memref<1x128x128xf32, #tpu.memory_space<vmem_shared>>
        %dma_start3A_201 = tpu.memref_squeeze %dma_start3A_200 : memref<1x128x128xf32, #tpu.memory_space<vmem_shared>> -> memref<128x128xf32, #tpu.memory_space<vmem_shared>>
        tpu.enqueue_dma source(%dma_start3A_201 : memref<128x128xf32, #tpu.memory_space<vmem_shared>>) target(%dma_start3A_197 : memref<128x128xf32, #tpu.memory_space<vmem>>) target_semaphore(%run_scoped3A : memref<!tpu.dma_semaphore, #tpu.memory_space<semaphore_mem>>)
        %dma_wait3A_202 = arith.constant 0 : i32
        %dma_wait3A_203 = arith.constant 0 : i32
        %dma_wait3A_204 = tpu.memref_slice %arg10[%dma_wait3A_202, %dma_wait3A_203] : memref<256x128xf32, #tpu.memory_space<vmem>> -> memref<128x128xf32, #tpu.memory_space<vmem>>
        %dma_wait3A_205 = arith.constant 0 : i32
        %dma_wait3A_206 = arith.constant 0 : i32
        %dma_wait3A_207 = tpu.memref_slice %arg13[%arg1, %dma_wait3A_205, %dma_wait3A_206] : memref<16x128x128xf32, #tpu.memory_space<vmem_shared>> -> memref<1x128x128xf32, #tpu.memory_space<vmem_shared>>
        %dma_wait3A_208 = tpu.memref_squeeze %dma_wait3A_207 : memref<1x128x128xf32, #tpu.memory_space<vmem_shared>> -> memref<128x128xf32, #tpu.memory_space<vmem_shared>>
        %dma_wait3A_209 = arith.constant 0 : i32
        %dma_wait3A_210 = arith.constant 0 : i32
        %dma_wait3A_211 = tpu.memref_slice %arg10[%dma_wait3A_209, %dma_wait3A_210] : memref<256x128xf32, #tpu.memory_space<vmem>> -> memref<128x128xf32, #tpu.memory_space<vmem>>
        %dma_wait3A_212 = arith.constant 0 : i32
        %dma_wait3A_213 = arith.constant 0 : i32
        %dma_wait3A_214 = tpu.memref_slice %arg13[%arg1, %dma_wait3A_212, %dma_wait3A_213] : memref<16x128x128xf32, #tpu.memory_space<vmem_shared>> -> memref<1x128x128xf32, #tpu.memory_space<vmem_shared>>
        %dma_wait3A_215 = tpu.memref_squeeze %dma_wait3A_214 : memref<1x128x128xf32, #tpu.memory_space<vmem_shared>> -> memref<128x128xf32, #tpu.memory_space<vmem_shared>>
        tpu.wait_dma2 semaphore(%run_scoped3A : memref<!tpu.dma_semaphore, #tpu.memory_space<semaphore_mem>>) src(%dma_wait3A_215 : memref<128x128xf32, #tpu.memory_space<vmem_shared>>) dst(%dma_wait3A_211 : memref<128x128xf32, #tpu.memory_space<vmem>>)
        tpu.yield
      }) : () -> ()
      "tpu.region"() ({
        %run_scoped3A = tpu.sem_alloc : memref<!tpu.dma_semaphore, #tpu.memory_space<semaphore_mem>>
        %dma_start3A_188 = arith.constant 128 : i32
        %dma_start3A_189 = arith.constant 0 : i32
        %dma_start3A_190 = tpu.memref_slice %arg10[%dma_start3A_188, %dma_start3A_189] : memref<256x128xf32, #tpu.memory_space<vmem>> -> memref<128x128xf32, #tpu.memory_space<vmem>>
        %dma_start3A_191 = arith.constant 0 : i32
        %dma_start3A_192 = arith.constant 0 : i32
        %dma_start3A_193 = tpu.memref_slice %arg13[%arg1, %dma_start3A_191, %dma_start3A_192] : memref<16x128x128xf32, #tpu.memory_space<vmem_shared>> -> memref<1x128x128xf32, #tpu.memory_space<vmem_shared>>
        %dma_start3A_194 = tpu.memref_squeeze %dma_start3A_193 : memref<1x128x128xf32, #tpu.memory_space<vmem_shared>> -> memref<128x128xf32, #tpu.memory_space<vmem_shared>>
        %dma_start3A_195 = arith.constant 128 : i32
        %dma_start3A_196 = arith.constant 0 : i32
        %dma_start3A_197 = tpu.memref_slice %arg10[%dma_start3A_195, %dma_start3A_196] : memref<256x128xf32, #tpu.memory_space<vmem>> -> memref<128x128xf32, #tpu.memory_space<vmem>>
        %dma_start3A_198 = arith.constant 0 : i32
        %dma_start3A_199 = arith.constant 0 : i32
        %dma_start3A_200 = tpu.memref_slice %arg13[%arg1, %dma_start3A_198, %dma_start3A_199] : memref<16x128x128xf32, #tpu.memory_space<vmem_shared>> -> memref<1x128x128xf32, #tpu.memory_space<vmem_shared>>
        %dma_start3A_201 = tpu.memref_squeeze %dma_start3A_200 : memref<1x128x128xf32, #tpu.memory_space<vmem_shared>> -> memref<128x128xf32, #tpu.memory_space<vmem_shared>>
        tpu.enqueue_dma source(%dma_start3A_201 : memref<128x128xf32, #tpu.memory_space<vmem_shared>>) target(%dma_start3A_197 : memref<128x128xf32, #tpu.memory_space<vmem>>) target_semaphore(%run_scoped3A : memref<!tpu.dma_semaphore, #tpu.memory_space<semaphore_mem>>)
        %dma_wait3A_202 = arith.constant 128 : i32
        %dma_wait3A_203 = arith.constant 0 : i32
        %dma_wait3A_204 = tpu.memref_slice %arg10[%dma_wait3A_202, %dma_wait3A_203] : memref<256x128xf32, #tpu.memory_space<vmem>> -> memref<128x128xf32, #tpu.memory_space<vmem>>
        %dma_wait3A_205 = arith.constant 0 : i32
        %dma_wait3A_206 = arith.constant 0 : i32
        %dma_wait3A_207 = tpu.memref_slice %arg13[%arg1, %dma_wait3A_205, %dma_wait3A_206] : memref<16x128x128xf32, #tpu.memory_space<vmem_shared>> -> memref<1x128x128xf32, #tpu.memory_space<vmem_shared>>
        %dma_wait3A_208 = tpu.memref_squeeze %dma_wait3A_207 : memref<1x128x128xf32, #tpu.memory_space<vmem_shared>> -> memref<128x128xf32, #tpu.memory_space<vmem_shared>>
        %dma_wait3A_209 = arith.constant 128 : i32
        %dma_wait3A_210 = arith.constant 0 : i32
        %dma_wait3A_211 = tpu.memref_slice %arg10[%dma_wait3A_209, %dma_wait3A_210] : memref<256x128xf32, #tpu.memory_space<vmem>> -> memref<128x128xf32, #tpu.memory_space<vmem>>
        %dma_wait3A_212 = arith.constant 0 : i32
        %dma_wait3A_213 = arith.constant 0 : i32
        %dma_wait3A_214 = tpu.memref_slice %arg13[%arg1, %dma_wait3A_212, %dma_wait3A_213] : memref<16x128x128xf32, #tpu.memory_space<vmem_shared>> -> memref<1x128x128xf32, #tpu.memory_space<vmem_shared>>
        %dma_wait3A_215 = tpu.memref_squeeze %dma_wait3A_214 : memref<1x128x128xf32, #tpu.memory_space<vmem_shared>> -> memref<128x128xf32, #tpu.memory_space<vmem_shared>>
        tpu.wait_dma2 semaphore(%run_scoped3A : memref<!tpu.dma_semaphore, #tpu.memory_space<semaphore_mem>>) src(%dma_wait3A_215 : memref<128x128xf32, #tpu.memory_space<vmem_shared>>) dst(%dma_wait3A_211 : memref<128x128xf32, #tpu.memory_space<vmem>>)
        tpu.yield
      }) : () -> ()
      %dma_start3A_136 = arith.constant 0 : i32
      %dma_start3A_137 = arith.constant 0 : i32
      %dma_start3A_138 = tpu.memref_slice %arg3[%dma_start3A_136, %dma_start3A_137] : memref<1000000x128xf32, #tpu.memory_space<hbm>> -> memref<1000000x128xf32, #tpu.memory_space<hbm>>
      tpu.enqueue_indirect_dma source(%dma_start3A_138 : memref<1000000x128xf32, #tpu.memory_space<hbm>>) target(%arg10 : memref<256x128xf32, #tpu.memory_space<vmem>>) offsets(%arg6 : memref<256xi32, #tpu.memory_space<vmem>>) semaphore(%arg14 : memref<!tpu.dma_semaphore, #tpu.memory_space<semaphore_mem>>) {add = true}
      %mul3A_139 = arith.constant 1024 : i32
      %mul3A_140 = arith.muli %select_n3A_30, %mul3A_139 : i32
      %add3A_141 = arith.constant 256 : i32
      %add3A_142 = arith.addi %mul3A_140, %add3A_141 : i32
      "tpu.region"() ({
        %run_scoped3A = tpu.sem_alloc : memref<!tpu.dma_semaphore, #tpu.memory_space<semaphore_mem>>
        %dma_start3A_188 = tpu.memref_slice %arg2[%add3A_39, %add3A_142] : memref<200x4096xi32, #tpu.memory_space<hbm>> -> memref<1x256xi32, #tpu.memory_space<hbm>>
        %dma_start3A_189 = tpu.memref_squeeze %dma_start3A_188 : memref<1x256xi32, #tpu.memory_space<hbm>> -> memref<256xi32, #tpu.memory_space<hbm>>
        %dma_start3A_190 = tpu.memref_slice %arg2[%add3A_39, %add3A_142] : memref<200x4096xi32, #tpu.memory_space<hbm>> -> memref<1x256xi32, #tpu.memory_space<hbm>>
        %dma_start3A_191 = tpu.memref_squeeze %dma_start3A_190 : memref<1x256xi32, #tpu.memory_space<hbm>> -> memref<256xi32, #tpu.memory_space<hbm>>
        tpu.enqueue_dma source(%dma_start3A_191 : memref<256xi32, #tpu.memory_space<hbm>>) target(%arg7 : memref<256xi32, #tpu.memory_space<vmem>>) target_semaphore(%run_scoped3A : memref<!tpu.dma_semaphore, #tpu.memory_space<semaphore_mem>>)
        %dma_wait3A_192 = tpu.memref_slice %arg2[%add3A_39, %add3A_142] : memref<200x4096xi32, #tpu.memory_space<hbm>> -> memref<1x256xi32, #tpu.memory_space<hbm>>
        %dma_wait3A_193 = tpu.memref_squeeze %dma_wait3A_192 : memref<1x256xi32, #tpu.memory_space<hbm>> -> memref<256xi32, #tpu.memory_space<hbm>>
        %dma_wait3A_194 = tpu.memref_slice %arg2[%add3A_39, %add3A_142] : memref<200x4096xi32, #tpu.memory_space<hbm>> -> memref<1x256xi32, #tpu.memory_space<hbm>>
        %dma_wait3A_195 = tpu.memref_squeeze %dma_wait3A_194 : memref<1x256xi32, #tpu.memory_space<hbm>> -> memref<256xi32, #tpu.memory_space<hbm>>
        tpu.wait_dma2 semaphore(%run_scoped3A : memref<!tpu.dma_semaphore, #tpu.memory_space<semaphore_mem>>) src(%dma_wait3A_195 : memref<256xi32, #tpu.memory_space<hbm>>) dst(%arg7 : memref<256xi32, #tpu.memory_space<vmem>>)
        tpu.yield
      }) : () -> ()
      "tpu.region"() ({
        %run_scoped3A = tpu.sem_alloc : memref<!tpu.dma_semaphore, #tpu.memory_space<semaphore_mem>>
        %dma_start3A_188 = arith.constant 0 : i32
        %dma_start3A_189 = arith.constant 0 : i32
        %dma_start3A_190 = tpu.memref_slice %arg11[%dma_start3A_188, %dma_start3A_189] : memref<256x128xf32, #tpu.memory_space<vmem>> -> memref<128x128xf32, #tpu.memory_space<vmem>>
        %dma_start3A_191 = arith.constant 0 : i32
        %dma_start3A_192 = arith.constant 0 : i32
        %dma_start3A_193 = tpu.memref_slice %arg13[%arg1, %dma_start3A_191, %dma_start3A_192] : memref<16x128x128xf32, #tpu.memory_space<vmem_shared>> -> memref<1x128x128xf32, #tpu.memory_space<vmem_shared>>
        %dma_start3A_194 = tpu.memref_squeeze %dma_start3A_193 : memref<1x128x128xf32, #tpu.memory_space<vmem_shared>> -> memref<128x128xf32, #tpu.memory_space<vmem_shared>>
        %dma_start3A_195 = arith.constant 0 : i32
        %dma_start3A_196 = arith.constant 0 : i32
        %dma_start3A_197 = tpu.memref_slice %arg11[%dma_start3A_195, %dma_start3A_196] : memref<256x128xf32, #tpu.memory_space<vmem>> -> memref<128x128xf32, #tpu.memory_space<vmem>>
        %dma_start3A_198 = arith.constant 0 : i32
        %dma_start3A_199 = arith.constant 0 : i32
        %dma_start3A_200 = tpu.memref_slice %arg13[%arg1, %dma_start3A_198, %dma_start3A_199] : memref<16x128x128xf32, #tpu.memory_space<vmem_shared>> -> memref<1x128x128xf32, #tpu.memory_space<vmem_shared>>
        %dma_start3A_201 = tpu.memref_squeeze %dma_start3A_200 : memref<1x128x128xf32, #tpu.memory_space<vmem_shared>> -> memref<128x128xf32, #tpu.memory_space<vmem_shared>>
        tpu.enqueue_dma source(%dma_start3A_201 : memref<128x128xf32, #tpu.memory_space<vmem_shared>>) target(%dma_start3A_197 : memref<128x128xf32, #tpu.memory_space<vmem>>) target_semaphore(%run_scoped3A : memref<!tpu.dma_semaphore, #tpu.memory_space<semaphore_mem>>)
        %dma_wait3A_202 = arith.constant 0 : i32
        %dma_wait3A_203 = arith.constant 0 : i32
        %dma_wait3A_204 = tpu.memref_slice %arg11[%dma_wait3A_202, %dma_wait3A_203] : memref<256x128xf32, #tpu.memory_space<vmem>> -> memref<128x128xf32, #tpu.memory_space<vmem>>
        %dma_wait3A_205 = arith.constant 0 : i32
        %dma_wait3A_206 = arith.constant 0 : i32
        %dma_wait3A_207 = tpu.memref_slice %arg13[%arg1, %dma_wait3A_205, %dma_wait3A_206] : memref<16x128x128xf32, #tpu.memory_space<vmem_shared>> -> memref<1x128x128xf32, #tpu.memory_space<vmem_shared>>
        %dma_wait3A_208 = tpu.memref_squeeze %dma_wait3A_207 : memref<1x128x128xf32, #tpu.memory_space<vmem_shared>> -> memref<128x128xf32, #tpu.memory_space<vmem_shared>>
        %dma_wait3A_209 = arith.constant 0 : i32
        %dma_wait3A_210 = arith.constant 0 : i32
        %dma_wait3A_211 = tpu.memref_slice %arg11[%dma_wait3A_209, %dma_wait3A_210] : memref<256x128xf32, #tpu.memory_space<vmem>> -> memref<128x128xf32, #tpu.memory_space<vmem>>
        %dma_wait3A_212 = arith.constant 0 : i32
        %dma_wait3A_213 = arith.constant 0 : i32
        %dma_wait3A_214 = tpu.memref_slice %arg13[%arg1, %dma_wait3A_212, %dma_wait3A_213] : memref<16x128x128xf32, #tpu.memory_space<vmem_shared>> -> memref<1x128x128xf32, #tpu.memory_space<vmem_shared>>
        %dma_wait3A_215 = tpu.memref_squeeze %dma_wait3A_214 : memref<1x128x128xf32, #tpu.memory_space<vmem_shared>> -> memref<128x128xf32, #tpu.memory_space<vmem_shared>>
        tpu.wait_dma2 semaphore(%run_scoped3A : memref<!tpu.dma_semaphore, #tpu.memory_space<semaphore_mem>>) src(%dma_wait3A_215 : memref<128x128xf32, #tpu.memory_space<vmem_shared>>) dst(%dma_wait3A_211 : memref<128x128xf32, #tpu.memory_space<vmem>>)
        tpu.yield
      }) : () -> ()
      "tpu.region"() ({
        %run_scoped3A = tpu.sem_alloc : memref<!tpu.dma_semaphore, #tpu.memory_space<semaphore_mem>>
        %dma_start3A_188 = arith.constant 128 : i32
        %dma_start3A_189 = arith.constant 0 : i32
        %dma_start3A_190 = tpu.memref_slice %arg11[%dma_start3A_188, %dma_start3A_189] : memref<256x128xf32, #tpu.memory_space<vmem>> -> memref<128x128xf32, #tpu.memory_space<vmem>>
        %dma_start3A_191 = arith.constant 0 : i32
        %dma_start3A_192 = arith.constant 0 : i32
        %dma_start3A_193 = tpu.memref_slice %arg13[%arg1, %dma_start3A_191, %dma_start3A_192] : memref<16x128x128xf32, #tpu.memory_space<vmem_shared>> -> memref<1x128x128xf32, #tpu.memory_space<vmem_shared>>
        %dma_start3A_194 = tpu.memref_squeeze %dma_start3A_193 : memref<1x128x128xf32, #tpu.memory_space<vmem_shared>> -> memref<128x128xf32, #tpu.memory_space<vmem_shared>>
        %dma_start3A_195 = arith.constant 128 : i32
        %dma_start3A_196 = arith.constant 0 : i32
        %dma_start3A_197 = tpu.memref_slice %arg11[%dma_start3A_195, %dma_start3A_196] : memref<256x128xf32, #tpu.memory_space<vmem>> -> memref<128x128xf32, #tpu.memory_space<vmem>>
        %dma_start3A_198 = arith.constant 0 : i32
        %dma_start3A_199 = arith.constant 0 : i32
        %dma_start3A_200 = tpu.memref_slice %arg13[%arg1, %dma_start3A_198, %dma_start3A_199] : memref<16x128x128xf32, #tpu.memory_space<vmem_shared>> -> memref<1x128x128xf32, #tpu.memory_space<vmem_shared>>
        %dma_start3A_201 = tpu.memref_squeeze %dma_start3A_200 : memref<1x128x128xf32, #tpu.memory_space<vmem_shared>> -> memref<128x128xf32, #tpu.memory_space<vmem_shared>>
        tpu.enqueue_dma source(%dma_start3A_201 : memref<128x128xf32, #tpu.memory_space<vmem_shared>>) target(%dma_start3A_197 : memref<128x128xf32, #tpu.memory_space<vmem>>) target_semaphore(%run_scoped3A : memref<!tpu.dma_semaphore, #tpu.memory_space<semaphore_mem>>)
        %dma_wait3A_202 = arith.constant 128 : i32
        %dma_wait3A_203 = arith.constant 0 : i32
        %dma_wait3A_204 = tpu.memref_slice %arg11[%dma_wait3A_202, %dma_wait3A_203] : memref<256x128xf32, #tpu.memory_space<vmem>> -> memref<128x128xf32, #tpu.memory_space<vmem>>
        %dma_wait3A_205 = arith.constant 0 : i32
        %dma_wait3A_206 = arith.constant 0 : i32
        %dma_wait3A_207 = tpu.memref_slice %arg13[%arg1, %dma_wait3A_205, %dma_wait3A_206] : memref<16x128x128xf32, #tpu.memory_space<vmem_shared>> -> memref<1x128x128xf32, #tpu.memory_space<vmem_shared>>
        %dma_wait3A_208 = tpu.memref_squeeze %dma_wait3A_207 : memref<1x128x128xf32, #tpu.memory_space<vmem_shared>> -> memref<128x128xf32, #tpu.memory_space<vmem_shared>>
        %dma_wait3A_209 = arith.constant 128 : i32
        %dma_wait3A_210 = arith.constant 0 : i32
        %dma_wait3A_211 = tpu.memref_slice %arg11[%dma_wait3A_209, %dma_wait3A_210] : memref<256x128xf32, #tpu.memory_space<vmem>> -> memref<128x128xf32, #tpu.memory_space<vmem>>
        %dma_wait3A_212 = arith.constant 0 : i32
        %dma_wait3A_213 = arith.constant 0 : i32
        %dma_wait3A_214 = tpu.memref_slice %arg13[%arg1, %dma_wait3A_212, %dma_wait3A_213] : memref<16x128x128xf32, #tpu.memory_space<vmem_shared>> -> memref<1x128x128xf32, #tpu.memory_space<vmem_shared>>
        %dma_wait3A_215 = tpu.memref_squeeze %dma_wait3A_214 : memref<1x128x128xf32, #tpu.memory_space<vmem_shared>> -> memref<128x128xf32, #tpu.memory_space<vmem_shared>>
        tpu.wait_dma2 semaphore(%run_scoped3A : memref<!tpu.dma_semaphore, #tpu.memory_space<semaphore_mem>>) src(%dma_wait3A_215 : memref<128x128xf32, #tpu.memory_space<vmem_shared>>) dst(%dma_wait3A_211 : memref<128x128xf32, #tpu.memory_space<vmem>>)
        tpu.yield
      }) : () -> ()
      %dma_start3A_143 = arith.constant 0 : i32
      %dma_start3A_144 = arith.constant 0 : i32
      %dma_start3A_145 = tpu.memref_slice %arg3[%dma_start3A_143, %dma_start3A_144] : memref<1000000x128xf32, #tpu.memory_space<hbm>> -> memref<1000000x128xf32, #tpu.memory_space<hbm>>
      tpu.enqueue_indirect_dma source(%dma_start3A_145 : memref<1000000x128xf32, #tpu.memory_space<hbm>>) target(%arg11 : memref<256x128xf32, #tpu.memory_space<vmem>>) offsets(%arg7 : memref<256xi32, #tpu.memory_space<vmem>>) semaphore(%arg15 : memref<!tpu.dma_semaphore, #tpu.memory_space<semaphore_mem>>) {add = true}
      %mul3A_146 = arith.constant 1024 : i32
      %mul3A_147 = arith.muli %select_n3A_30, %mul3A_146 : i32
      %add3A_148 = arith.constant 0 : i32
      %add3A_149 = arith.addi %mul3A_147, %add3A_148 : i32
      %dma_wait3A_150 = arith.constant 0 : i32
      %dma_wait3A_151 = arith.constant 0 : i32
      %dma_wait3A_152 = tpu.memref_slice %arg3[%dma_wait3A_150, %dma_wait3A_151] : memref<1000000x128xf32, #tpu.memory_space<hbm>> -> memref<1000000x128xf32, #tpu.memory_space<hbm>>
      tpu.wait_indirect_dma semaphore(%arg14 : memref<!tpu.dma_semaphore, #tpu.memory_space<semaphore_mem>>) src(%dma_wait3A_152 : memref<1000000x128xf32, #tpu.memory_space<hbm>>) dst(%arg10 : memref<256x128xf32, #tpu.memory_space<vmem>>)
      "tpu.region"() ({
        %run_scoped3A = tpu.sem_alloc : memref<!tpu.dma_semaphore, #tpu.memory_space<semaphore_mem>>
        %dma_start3A_188 = arith.constant 0 : i32
        %dma_start3A_189 = tpu.memref_slice %arg5[%add3A_39, %add3A_149, %dma_start3A_188] : memref<200x4096x128xf32, #tpu.memory_space<hbm>> -> memref<1x256x128xf32, #tpu.memory_space<hbm>>
        %dma_start3A_190 = tpu.memref_squeeze %dma_start3A_189 : memref<1x256x128xf32, #tpu.memory_space<hbm>> -> memref<256x128xf32, #tpu.memory_space<hbm>>
        %dma_start3A_191 = arith.constant 0 : i32
        %dma_start3A_192 = tpu.memref_slice %arg5[%add3A_39, %add3A_149, %dma_start3A_191] : memref<200x4096x128xf32, #tpu.memory_space<hbm>> -> memref<1x256x128xf32, #tpu.memory_space<hbm>>
        %dma_start3A_193 = tpu.memref_squeeze %dma_start3A_192 : memref<1x256x128xf32, #tpu.memory_space<hbm>> -> memref<256x128xf32, #tpu.memory_space<hbm>>
        tpu.enqueue_dma source(%arg10 : memref<256x128xf32, #tpu.memory_space<vmem>>) target(%dma_start3A_193 : memref<256x128xf32, #tpu.memory_space<hbm>>) target_semaphore(%run_scoped3A : memref<!tpu.dma_semaphore, #tpu.memory_space<semaphore_mem>>)
        %dma_wait3A_194 = arith.constant 0 : i32
        %dma_wait3A_195 = tpu.memref_slice %arg5[%add3A_39, %add3A_149, %dma_wait3A_194] : memref<200x4096x128xf32, #tpu.memory_space<hbm>> -> memref<1x256x128xf32, #tpu.memory_space<hbm>>
        %dma_wait3A_196 = tpu.memref_squeeze %dma_wait3A_195 : memref<1x256x128xf32, #tpu.memory_space<hbm>> -> memref<256x128xf32, #tpu.memory_space<hbm>>
        %dma_wait3A_197 = arith.constant 0 : i32
        %dma_wait3A_198 = tpu.memref_slice %arg5[%add3A_39, %add3A_149, %dma_wait3A_197] : memref<200x4096x128xf32, #tpu.memory_space<hbm>> -> memref<1x256x128xf32, #tpu.memory_space<hbm>>
        %dma_wait3A_199 = tpu.memref_squeeze %dma_wait3A_198 : memref<1x256x128xf32, #tpu.memory_space<hbm>> -> memref<256x128xf32, #tpu.memory_space<hbm>>
        tpu.wait_dma2 semaphore(%run_scoped3A : memref<!tpu.dma_semaphore, #tpu.memory_space<semaphore_mem>>) src(%arg10 : memref<256x128xf32, #tpu.memory_space<vmem>>) dst(%dma_wait3A_199 : memref<256x128xf32, #tpu.memory_space<hbm>>)
        tpu.yield
      }) : () -> ()
      %mul3A_153 = arith.constant 1024 : i32
      %mul3A_154 = arith.muli %select_n3A_30, %mul3A_153 : i32
      %add3A_155 = arith.constant 512 : i32
      %add3A_156 = arith.addi %mul3A_154, %add3A_155 : i32
      "tpu.region"() ({
        %run_scoped3A = tpu.sem_alloc : memref<!tpu.dma_semaphore, #tpu.memory_space<semaphore_mem>>
        %dma_start3A_188 = tpu.memref_slice %arg2[%add3A_39, %add3A_156] : memref<200x4096xi32, #tpu.memory_space<hbm>> -> memref<1x256xi32, #tpu.memory_space<hbm>>
        %dma_start3A_189 = tpu.memref_squeeze %dma_start3A_188 : memref<1x256xi32, #tpu.memory_space<hbm>> -> memref<256xi32, #tpu.memory_space<hbm>>
        %dma_start3A_190 = tpu.memref_slice %arg2[%add3A_39, %add3A_156] : memref<200x4096xi32, #tpu.memory_space<hbm>> -> memref<1x256xi32, #tpu.memory_space<hbm>>
        %dma_start3A_191 = tpu.memref_squeeze %dma_start3A_190 : memref<1x256xi32, #tpu.memory_space<hbm>> -> memref<256xi32, #tpu.memory_space<hbm>>
        tpu.enqueue_dma source(%dma_start3A_191 : memref<256xi32, #tpu.memory_space<hbm>>) target(%arg8 : memref<256xi32, #tpu.memory_space<vmem>>) target_semaphore(%run_scoped3A : memref<!tpu.dma_semaphore, #tpu.memory_space<semaphore_mem>>)
        %dma_wait3A_192 = tpu.memref_slice %arg2[%add3A_39, %add3A_156] : memref<200x4096xi32, #tpu.memory_space<hbm>> -> memref<1x256xi32, #tpu.memory_space<hbm>>
        %dma_wait3A_193 = tpu.memref_squeeze %dma_wait3A_192 : memref<1x256xi32, #tpu.memory_space<hbm>> -> memref<256xi32, #tpu.memory_space<hbm>>
        %dma_wait3A_194 = tpu.memref_slice %arg2[%add3A_39, %add3A_156] : memref<200x4096xi32, #tpu.memory_space<hbm>> -> memref<1x256xi32, #tpu.memory_space<hbm>>
        %dma_wait3A_195 = tpu.memref_squeeze %dma_wait3A_194 : memref<1x256xi32, #tpu.memory_space<hbm>> -> memref<256xi32, #tpu.memory_space<hbm>>
        tpu.wait_dma2 semaphore(%run_scoped3A : memref<!tpu.dma_semaphore, #tpu.memory_space<semaphore_mem>>) src(%dma_wait3A_195 : memref<256xi32, #tpu.memory_space<hbm>>) dst(%arg8 : memref<256xi32, #tpu.memory_space<vmem>>)
        tpu.yield
      }) : () -> ()
      "tpu.region"() ({
        %run_scoped3A = tpu.sem_alloc : memref<!tpu.dma_semaphore, #tpu.memory_space<semaphore_mem>>
        %dma_start3A_188 = arith.constant 0 : i32
        %dma_start3A_189 = arith.constant 0 : i32
        %dma_start3A_190 = tpu.memref_slice %arg12[%dma_start3A_188, %dma_start3A_189] : memref<256x128xf32, #tpu.memory_space<vmem>> -> memref<128x128xf32, #tpu.memory_space<vmem>>
        %dma_start3A_191 = arith.constant 0 : i32
        %dma_start3A_192 = arith.constant 0 : i32
        %dma_start3A_193 = tpu.memref_slice %arg13[%arg1, %dma_start3A_191, %dma_start3A_192] : memref<16x128x128xf32, #tpu.memory_space<vmem_shared>> -> memref<1x128x128xf32, #tpu.memory_space<vmem_shared>>
        %dma_start3A_194 = tpu.memref_squeeze %dma_start3A_193 : memref<1x128x128xf32, #tpu.memory_space<vmem_shared>> -> memref<128x128xf32, #tpu.memory_space<vmem_shared>>
        %dma_start3A_195 = arith.constant 0 : i32
        %dma_start3A_196 = arith.constant 0 : i32
        %dma_start3A_197 = tpu.memref_slice %arg12[%dma_start3A_195, %dma_start3A_196] : memref<256x128xf32, #tpu.memory_space<vmem>> -> memref<128x128xf32, #tpu.memory_space<vmem>>
        %dma_start3A_198 = arith.constant 0 : i32
        %dma_start3A_199 = arith.constant 0 : i32
        %dma_start3A_200 = tpu.memref_slice %arg13[%arg1, %dma_start3A_198, %dma_start3A_199] : memref<16x128x128xf32, #tpu.memory_space<vmem_shared>> -> memref<1x128x128xf32, #tpu.memory_space<vmem_shared>>
        %dma_start3A_201 = tpu.memref_squeeze %dma_start3A_200 : memref<1x128x128xf32, #tpu.memory_space<vmem_shared>> -> memref<128x128xf32, #tpu.memory_space<vmem_shared>>
        tpu.enqueue_dma source(%dma_start3A_201 : memref<128x128xf32, #tpu.memory_space<vmem_shared>>) target(%dma_start3A_197 : memref<128x128xf32, #tpu.memory_space<vmem>>) target_semaphore(%run_scoped3A : memref<!tpu.dma_semaphore, #tpu.memory_space<semaphore_mem>>)
        %dma_wait3A_202 = arith.constant 0 : i32
        %dma_wait3A_203 = arith.constant 0 : i32
        %dma_wait3A_204 = tpu.memref_slice %arg12[%dma_wait3A_202, %dma_wait3A_203] : memref<256x128xf32, #tpu.memory_space<vmem>> -> memref<128x128xf32, #tpu.memory_space<vmem>>
        %dma_wait3A_205 = arith.constant 0 : i32
        %dma_wait3A_206 = arith.constant 0 : i32
        %dma_wait3A_207 = tpu.memref_slice %arg13[%arg1, %dma_wait3A_205, %dma_wait3A_206] : memref<16x128x128xf32, #tpu.memory_space<vmem_shared>> -> memref<1x128x128xf32, #tpu.memory_space<vmem_shared>>
        %dma_wait3A_208 = tpu.memref_squeeze %dma_wait3A_207 : memref<1x128x128xf32, #tpu.memory_space<vmem_shared>> -> memref<128x128xf32, #tpu.memory_space<vmem_shared>>
        %dma_wait3A_209 = arith.constant 0 : i32
        %dma_wait3A_210 = arith.constant 0 : i32
        %dma_wait3A_211 = tpu.memref_slice %arg12[%dma_wait3A_209, %dma_wait3A_210] : memref<256x128xf32, #tpu.memory_space<vmem>> -> memref<128x128xf32, #tpu.memory_space<vmem>>
        %dma_wait3A_212 = arith.constant 0 : i32
        %dma_wait3A_213 = arith.constant 0 : i32
        %dma_wait3A_214 = tpu.memref_slice %arg13[%arg1, %dma_wait3A_212, %dma_wait3A_213] : memref<16x128x128xf32, #tpu.memory_space<vmem_shared>> -> memref<1x128x128xf32, #tpu.memory_space<vmem_shared>>
        %dma_wait3A_215 = tpu.memref_squeeze %dma_wait3A_214 : memref<1x128x128xf32, #tpu.memory_space<vmem_shared>> -> memref<128x128xf32, #tpu.memory_space<vmem_shared>>
        tpu.wait_dma2 semaphore(%run_scoped3A : memref<!tpu.dma_semaphore, #tpu.memory_space<semaphore_mem>>) src(%dma_wait3A_215 : memref<128x128xf32, #tpu.memory_space<vmem_shared>>) dst(%dma_wait3A_211 : memref<128x128xf32, #tpu.memory_space<vmem>>)
        tpu.yield
      }) : () -> ()
      "tpu.region"() ({
        %run_scoped3A = tpu.sem_alloc : memref<!tpu.dma_semaphore, #tpu.memory_space<semaphore_mem>>
        %dma_start3A_188 = arith.constant 128 : i32
        %dma_start3A_189 = arith.constant 0 : i32
        %dma_start3A_190 = tpu.memref_slice %arg12[%dma_start3A_188, %dma_start3A_189] : memref<256x128xf32, #tpu.memory_space<vmem>> -> memref<128x128xf32, #tpu.memory_space<vmem>>
        %dma_start3A_191 = arith.constant 0 : i32
        %dma_start3A_192 = arith.constant 0 : i32
        %dma_start3A_193 = tpu.memref_slice %arg13[%arg1, %dma_start3A_191, %dma_start3A_192] : memref<16x128x128xf32, #tpu.memory_space<vmem_shared>> -> memref<1x128x128xf32, #tpu.memory_space<vmem_shared>>
        %dma_start3A_194 = tpu.memref_squeeze %dma_start3A_193 : memref<1x128x128xf32, #tpu.memory_space<vmem_shared>> -> memref<128x128xf32, #tpu.memory_space<vmem_shared>>
        %dma_start3A_195 = arith.constant 128 : i32
        %dma_start3A_196 = arith.constant 0 : i32
        %dma_start3A_197 = tpu.memref_slice %arg12[%dma_start3A_195, %dma_start3A_196] : memref<256x128xf32, #tpu.memory_space<vmem>> -> memref<128x128xf32, #tpu.memory_space<vmem>>
        %dma_start3A_198 = arith.constant 0 : i32
        %dma_start3A_199 = arith.constant 0 : i32
        %dma_start3A_200 = tpu.memref_slice %arg13[%arg1, %dma_start3A_198, %dma_start3A_199] : memref<16x128x128xf32, #tpu.memory_space<vmem_shared>> -> memref<1x128x128xf32, #tpu.memory_space<vmem_shared>>
        %dma_start3A_201 = tpu.memref_squeeze %dma_start3A_200 : memref<1x128x128xf32, #tpu.memory_space<vmem_shared>> -> memref<128x128xf32, #tpu.memory_space<vmem_shared>>
        tpu.enqueue_dma source(%dma_start3A_201 : memref<128x128xf32, #tpu.memory_space<vmem_shared>>) target(%dma_start3A_197 : memref<128x128xf32, #tpu.memory_space<vmem>>) target_semaphore(%run_scoped3A : memref<!tpu.dma_semaphore, #tpu.memory_space<semaphore_mem>>)
        %dma_wait3A_202 = arith.constant 128 : i32
        %dma_wait3A_203 = arith.constant 0 : i32
        %dma_wait3A_204 = tpu.memref_slice %arg12[%dma_wait3A_202, %dma_wait3A_203] : memref<256x128xf32, #tpu.memory_space<vmem>> -> memref<128x128xf32, #tpu.memory_space<vmem>>
        %dma_wait3A_205 = arith.constant 0 : i32
        %dma_wait3A_206 = arith.constant 0 : i32
        %dma_wait3A_207 = tpu.memref_slice %arg13[%arg1, %dma_wait3A_205, %dma_wait3A_206] : memref<16x128x128xf32, #tpu.memory_space<vmem_shared>> -> memref<1x128x128xf32, #tpu.memory_space<vmem_shared>>
        %dma_wait3A_208 = tpu.memref_squeeze %dma_wait3A_207 : memref<1x128x128xf32, #tpu.memory_space<vmem_shared>> -> memref<128x128xf32, #tpu.memory_space<vmem_shared>>
        %dma_wait3A_209 = arith.constant 128 : i32
        %dma_wait3A_210 = arith.constant 0 : i32
        %dma_wait3A_211 = tpu.memref_slice %arg12[%dma_wait3A_209, %dma_wait3A_210] : memref<256x128xf32, #tpu.memory_space<vmem>> -> memref<128x128xf32, #tpu.memory_space<vmem>>
        %dma_wait3A_212 = arith.constant 0 : i32
        %dma_wait3A_213 = arith.constant 0 : i32
        %dma_wait3A_214 = tpu.memref_slice %arg13[%arg1, %dma_wait3A_212, %dma_wait3A_213] : memref<16x128x128xf32, #tpu.memory_space<vmem_shared>> -> memref<1x128x128xf32, #tpu.memory_space<vmem_shared>>
        %dma_wait3A_215 = tpu.memref_squeeze %dma_wait3A_214 : memref<1x128x128xf32, #tpu.memory_space<vmem_shared>> -> memref<128x128xf32, #tpu.memory_space<vmem_shared>>
        tpu.wait_dma2 semaphore(%run_scoped3A : memref<!tpu.dma_semaphore, #tpu.memory_space<semaphore_mem>>) src(%dma_wait3A_215 : memref<128x128xf32, #tpu.memory_space<vmem_shared>>) dst(%dma_wait3A_211 : memref<128x128xf32, #tpu.memory_space<vmem>>)
        tpu.yield
      }) : () -> ()
      %dma_start3A_157 = arith.constant 0 : i32
      %dma_start3A_158 = arith.constant 0 : i32
      %dma_start3A_159 = tpu.memref_slice %arg3[%dma_start3A_157, %dma_start3A_158] : memref<1000000x128xf32, #tpu.memory_space<hbm>> -> memref<1000000x128xf32, #tpu.memory_space<hbm>>
      tpu.enqueue_indirect_dma source(%dma_start3A_159 : memref<1000000x128xf32, #tpu.memory_space<hbm>>) target(%arg12 : memref<256x128xf32, #tpu.memory_space<vmem>>) offsets(%arg8 : memref<256xi32, #tpu.memory_space<vmem>>) semaphore(%arg16 : memref<!tpu.dma_semaphore, #tpu.memory_space<semaphore_mem>>) {add = true}
      %mul3A_160 = arith.constant 1024 : i32
      %mul3A_161 = arith.muli %select_n3A_30, %mul3A_160 : i32
      %add3A_162 = arith.constant 256 : i32
      %add3A_163 = arith.addi %mul3A_161, %add3A_162 : i32
      %dma_wait3A_164 = arith.constant 0 : i32
      %dma_wait3A_165 = arith.constant 0 : i32
      %dma_wait3A_166 = tpu.memref_slice %arg3[%dma_wait3A_164, %dma_wait3A_165] : memref<1000000x128xf32, #tpu.memory_space<hbm>> -> memref<1000000x128xf32, #tpu.memory_space<hbm>>
      tpu.wait_indirect_dma semaphore(%arg15 : memref<!tpu.dma_semaphore, #tpu.memory_space<semaphore_mem>>) src(%dma_wait3A_166 : memref<1000000x128xf32, #tpu.memory_space<hbm>>) dst(%arg11 : memref<256x128xf32, #tpu.memory_space<vmem>>)
      "tpu.region"() ({
        %run_scoped3A = tpu.sem_alloc : memref<!tpu.dma_semaphore, #tpu.memory_space<semaphore_mem>>
        %dma_start3A_188 = arith.constant 0 : i32
        %dma_start3A_189 = tpu.memref_slice %arg5[%add3A_39, %add3A_163, %dma_start3A_188] : memref<200x4096x128xf32, #tpu.memory_space<hbm>> -> memref<1x256x128xf32, #tpu.memory_space<hbm>>
        %dma_start3A_190 = tpu.memref_squeeze %dma_start3A_189 : memref<1x256x128xf32, #tpu.memory_space<hbm>> -> memref<256x128xf32, #tpu.memory_space<hbm>>
        %dma_start3A_191 = arith.constant 0 : i32
        %dma_start3A_192 = tpu.memref_slice %arg5[%add3A_39, %add3A_163, %dma_start3A_191] : memref<200x4096x128xf32, #tpu.memory_space<hbm>> -> memref<1x256x128xf32, #tpu.memory_space<hbm>>
        %dma_start3A_193 = tpu.memref_squeeze %dma_start3A_192 : memref<1x256x128xf32, #tpu.memory_space<hbm>> -> memref<256x128xf32, #tpu.memory_space<hbm>>
        tpu.enqueue_dma source(%arg11 : memref<256x128xf32, #tpu.memory_space<vmem>>) target(%dma_start3A_193 : memref<256x128xf32, #tpu.memory_space<hbm>>) target_semaphore(%run_scoped3A : memref<!tpu.dma_semaphore, #tpu.memory_space<semaphore_mem>>)
        %dma_wait3A_194 = arith.constant 0 : i32
        %dma_wait3A_195 = tpu.memref_slice %arg5[%add3A_39, %add3A_163, %dma_wait3A_194] : memref<200x4096x128xf32, #tpu.memory_space<hbm>> -> memref<1x256x128xf32, #tpu.memory_space<hbm>>
        %dma_wait3A_196 = tpu.memref_squeeze %dma_wait3A_195 : memref<1x256x128xf32, #tpu.memory_space<hbm>> -> memref<256x128xf32, #tpu.memory_space<hbm>>
        %dma_wait3A_197 = arith.constant 0 : i32
        %dma_wait3A_198 = tpu.memref_slice %arg5[%add3A_39, %add3A_163, %dma_wait3A_197] : memref<200x4096x128xf32, #tpu.memory_space<hbm>> -> memref<1x256x128xf32, #tpu.memory_space<hbm>>
        %dma_wait3A_199 = tpu.memref_squeeze %dma_wait3A_198 : memref<1x256x128xf32, #tpu.memory_space<hbm>> -> memref<256x128xf32, #tpu.memory_space<hbm>>
        tpu.wait_dma2 semaphore(%run_scoped3A : memref<!tpu.dma_semaphore, #tpu.memory_space<semaphore_mem>>) src(%arg11 : memref<256x128xf32, #tpu.memory_space<vmem>>) dst(%dma_wait3A_199 : memref<256x128xf32, #tpu.memory_space<hbm>>)
        tpu.yield
      }) : () -> ()
      %mul3A_167 = arith.constant 1024 : i32
      %mul3A_168 = arith.muli %select_n3A_30, %mul3A_167 : i32
      %add3A_169 = arith.constant 768 : i32
      %add3A_170 = arith.addi %mul3A_168, %add3A_169 : i32
      "tpu.region"() ({
        %run_scoped3A = tpu.sem_alloc : memref<!tpu.dma_semaphore, #tpu.memory_space<semaphore_mem>>
        %dma_start3A_188 = tpu.memref_slice %arg2[%add3A_39, %add3A_170] : memref<200x4096xi32, #tpu.memory_space<hbm>> -> memref<1x256xi32, #tpu.memory_space<hbm>>
        %dma_start3A_189 = tpu.memref_squeeze %dma_start3A_188 : memref<1x256xi32, #tpu.memory_space<hbm>> -> memref<256xi32, #tpu.memory_space<hbm>>
        %dma_start3A_190 = tpu.memref_slice %arg2[%add3A_39, %add3A_170] : memref<200x4096xi32, #tpu.memory_space<hbm>> -> memref<1x256xi32, #tpu.memory_space<hbm>>
        %dma_start3A_191 = tpu.memref_squeeze %dma_start3A_190 : memref<1x256xi32, #tpu.memory_space<hbm>> -> memref<256xi32, #tpu.memory_space<hbm>>
        tpu.enqueue_dma source(%dma_start3A_191 : memref<256xi32, #tpu.memory_space<hbm>>) target(%arg6 : memref<256xi32, #tpu.memory_space<vmem>>) target_semaphore(%run_scoped3A : memref<!tpu.dma_semaphore, #tpu.memory_space<semaphore_mem>>)
        %dma_wait3A_192 = tpu.memref_slice %arg2[%add3A_39, %add3A_170] : memref<200x4096xi32, #tpu.memory_space<hbm>> -> memref<1x256xi32, #tpu.memory_space<hbm>>
        %dma_wait3A_193 = tpu.memref_squeeze %dma_wait3A_192 : memref<1x256xi32, #tpu.memory_space<hbm>> -> memref<256xi32, #tpu.memory_space<hbm>>
        %dma_wait3A_194 = tpu.memref_slice %arg2[%add3A_39, %add3A_170] : memref<200x4096xi32, #tpu.memory_space<hbm>> -> memref<1x256xi32, #tpu.memory_space<hbm>>
        %dma_wait3A_195 = tpu.memref_squeeze %dma_wait3A_194 : memref<1x256xi32, #tpu.memory_space<hbm>> -> memref<256xi32, #tpu.memory_space<hbm>>
        tpu.wait_dma2 semaphore(%run_scoped3A : memref<!tpu.dma_semaphore, #tpu.memory_space<semaphore_mem>>) src(%dma_wait3A_195 : memref<256xi32, #tpu.memory_space<hbm>>) dst(%arg6 : memref<256xi32, #tpu.memory_space<vmem>>)
        tpu.yield
      }) : () -> ()
      "tpu.region"() ({
        %run_scoped3A = tpu.sem_alloc : memref<!tpu.dma_semaphore, #tpu.memory_space<semaphore_mem>>
        %dma_start3A_188 = arith.constant 0 : i32
        %dma_start3A_189 = arith.constant 0 : i32
        %dma_start3A_190 = tpu.memref_slice %arg10[%dma_start3A_188, %dma_start3A_189] : memref<256x128xf32, #tpu.memory_space<vmem>> -> memref<128x128xf32, #tpu.memory_space<vmem>>
        %dma_start3A_191 = arith.constant 0 : i32
        %dma_start3A_192 = arith.constant 0 : i32
        %dma_start3A_193 = tpu.memref_slice %arg13[%arg1, %dma_start3A_191, %dma_start3A_192] : memref<16x128x128xf32, #tpu.memory_space<vmem_shared>> -> memref<1x128x128xf32, #tpu.memory_space<vmem_shared>>
        %dma_start3A_194 = tpu.memref_squeeze %dma_start3A_193 : memref<1x128x128xf32, #tpu.memory_space<vmem_shared>> -> memref<128x128xf32, #tpu.memory_space<vmem_shared>>
        %dma_start3A_195 = arith.constant 0 : i32
        %dma_start3A_196 = arith.constant 0 : i32
        %dma_start3A_197 = tpu.memref_slice %arg10[%dma_start3A_195, %dma_start3A_196] : memref<256x128xf32, #tpu.memory_space<vmem>> -> memref<128x128xf32, #tpu.memory_space<vmem>>
        %dma_start3A_198 = arith.constant 0 : i32
        %dma_start3A_199 = arith.constant 0 : i32
        %dma_start3A_200 = tpu.memref_slice %arg13[%arg1, %dma_start3A_198, %dma_start3A_199] : memref<16x128x128xf32, #tpu.memory_space<vmem_shared>> -> memref<1x128x128xf32, #tpu.memory_space<vmem_shared>>
        %dma_start3A_201 = tpu.memref_squeeze %dma_start3A_200 : memref<1x128x128xf32, #tpu.memory_space<vmem_shared>> -> memref<128x128xf32, #tpu.memory_space<vmem_shared>>
        tpu.enqueue_dma source(%dma_start3A_201 : memref<128x128xf32, #tpu.memory_space<vmem_shared>>) target(%dma_start3A_197 : memref<128x128xf32, #tpu.memory_space<vmem>>) target_semaphore(%run_scoped3A : memref<!tpu.dma_semaphore, #tpu.memory_space<semaphore_mem>>)
        %dma_wait3A_202 = arith.constant 0 : i32
        %dma_wait3A_203 = arith.constant 0 : i32
        %dma_wait3A_204 = tpu.memref_slice %arg10[%dma_wait3A_202, %dma_wait3A_203] : memref<256x128xf32, #tpu.memory_space<vmem>> -> memref<128x128xf32, #tpu.memory_space<vmem>>
        %dma_wait3A_205 = arith.constant 0 : i32
        %dma_wait3A_206 = arith.constant 0 : i32
        %dma_wait3A_207 = tpu.memref_slice %arg13[%arg1, %dma_wait3A_205, %dma_wait3A_206] : memref<16x128x128xf32, #tpu.memory_space<vmem_shared>> -> memref<1x128x128xf32, #tpu.memory_space<vmem_shared>>
        %dma_wait3A_208 = tpu.memref_squeeze %dma_wait3A_207 : memref<1x128x128xf32, #tpu.memory_space<vmem_shared>> -> memref<128x128xf32, #tpu.memory_space<vmem_shared>>
        %dma_wait3A_209 = arith.constant 0 : i32
        %dma_wait3A_210 = arith.constant 0 : i32
        %dma_wait3A_211 = tpu.memref_slice %arg10[%dma_wait3A_209, %dma_wait3A_210] : memref<256x128xf32, #tpu.memory_space<vmem>> -> memref<128x128xf32, #tpu.memory_space<vmem>>
        %dma_wait3A_212 = arith.constant 0 : i32
        %dma_wait3A_213 = arith.constant 0 : i32
        %dma_wait3A_214 = tpu.memref_slice %arg13[%arg1, %dma_wait3A_212, %dma_wait3A_213] : memref<16x128x128xf32, #tpu.memory_space<vmem_shared>> -> memref<1x128x128xf32, #tpu.memory_space<vmem_shared>>
        %dma_wait3A_215 = tpu.memref_squeeze %dma_wait3A_214 : memref<1x128x128xf32, #tpu.memory_space<vmem_shared>> -> memref<128x128xf32, #tpu.memory_space<vmem_shared>>
        tpu.wait_dma2 semaphore(%run_scoped3A : memref<!tpu.dma_semaphore, #tpu.memory_space<semaphore_mem>>) src(%dma_wait3A_215 : memref<128x128xf32, #tpu.memory_space<vmem_shared>>) dst(%dma_wait3A_211 : memref<128x128xf32, #tpu.memory_space<vmem>>)
        tpu.yield
      }) : () -> ()
      "tpu.region"() ({
        %run_scoped3A = tpu.sem_alloc : memref<!tpu.dma_semaphore, #tpu.memory_space<semaphore_mem>>
        %dma_start3A_188 = arith.constant 128 : i32
        %dma_start3A_189 = arith.constant 0 : i32
        %dma_start3A_190 = tpu.memref_slice %arg10[%dma_start3A_188, %dma_start3A_189] : memref<256x128xf32, #tpu.memory_space<vmem>> -> memref<128x128xf32, #tpu.memory_space<vmem>>
        %dma_start3A_191 = arith.constant 0 : i32
        %dma_start3A_192 = arith.constant 0 : i32
        %dma_start3A_193 = tpu.memref_slice %arg13[%arg1, %dma_start3A_191, %dma_start3A_192] : memref<16x128x128xf32, #tpu.memory_space<vmem_shared>> -> memref<1x128x128xf32, #tpu.memory_space<vmem_shared>>
        %dma_start3A_194 = tpu.memref_squeeze %dma_start3A_193 : memref<1x128x128xf32, #tpu.memory_space<vmem_shared>> -> memref<128x128xf32, #tpu.memory_space<vmem_shared>>
        %dma_start3A_195 = arith.constant 128 : i32
        %dma_start3A_196 = arith.constant 0 : i32
        %dma_start3A_197 = tpu.memref_slice %arg10[%dma_start3A_195, %dma_start3A_196] : memref<256x128xf32, #tpu.memory_space<vmem>> -> memref<128x128xf32, #tpu.memory_space<vmem>>
        %dma_start3A_198 = arith.constant 0 : i32
        %dma_start3A_199 = arith.constant 0 : i32
        %dma_start3A_200 = tpu.memref_slice %arg13[%arg1, %dma_start3A_198, %dma_start3A_199] : memref<16x128x128xf32, #tpu.memory_space<vmem_shared>> -> memref<1x128x128xf32, #tpu.memory_space<vmem_shared>>
        %dma_start3A_201 = tpu.memref_squeeze %dma_start3A_200 : memref<1x128x128xf32, #tpu.memory_space<vmem_shared>> -> memref<128x128xf32, #tpu.memory_space<vmem_shared>>
        tpu.enqueue_dma source(%dma_start3A_201 : memref<128x128xf32, #tpu.memory_space<vmem_shared>>) target(%dma_start3A_197 : memref<128x128xf32, #tpu.memory_space<vmem>>) target_semaphore(%run_scoped3A : memref<!tpu.dma_semaphore, #tpu.memory_space<semaphore_mem>>)
        %dma_wait3A_202 = arith.constant 128 : i32
        %dma_wait3A_203 = arith.constant 0 : i32
        %dma_wait3A_204 = tpu.memref_slice %arg10[%dma_wait3A_202, %dma_wait3A_203] : memref<256x128xf32, #tpu.memory_space<vmem>> -> memref<128x128xf32, #tpu.memory_space<vmem>>
        %dma_wait3A_205 = arith.constant 0 : i32
        %dma_wait3A_206 = arith.constant 0 : i32
        %dma_wait3A_207 = tpu.memref_slice %arg13[%arg1, %dma_wait3A_205, %dma_wait3A_206] : memref<16x128x128xf32, #tpu.memory_space<vmem_shared>> -> memref<1x128x128xf32, #tpu.memory_space<vmem_shared>>
        %dma_wait3A_208 = tpu.memref_squeeze %dma_wait3A_207 : memref<1x128x128xf32, #tpu.memory_space<vmem_shared>> -> memref<128x128xf32, #tpu.memory_space<vmem_shared>>
        %dma_wait3A_209 = arith.constant 128 : i32
        %dma_wait3A_210 = arith.constant 0 : i32
        %dma_wait3A_211 = tpu.memref_slice %arg10[%dma_wait3A_209, %dma_wait3A_210] : memref<256x128xf32, #tpu.memory_space<vmem>> -> memref<128x128xf32, #tpu.memory_space<vmem>>
        %dma_wait3A_212 = arith.constant 0 : i32
        %dma_wait3A_213 = arith.constant 0 : i32
        %dma_wait3A_214 = tpu.memref_slice %arg13[%arg1, %dma_wait3A_212, %dma_wait3A_213] : memref<16x128x128xf32, #tpu.memory_space<vmem_shared>> -> memref<1x128x128xf32, #tpu.memory_space<vmem_shared>>
        %dma_wait3A_215 = tpu.memref_squeeze %dma_wait3A_214 : memref<1x128x128xf32, #tpu.memory_space<vmem_shared>> -> memref<128x128xf32, #tpu.memory_space<vmem_shared>>
        tpu.wait_dma2 semaphore(%run_scoped3A : memref<!tpu.dma_semaphore, #tpu.memory_space<semaphore_mem>>) src(%dma_wait3A_215 : memref<128x128xf32, #tpu.memory_space<vmem_shared>>) dst(%dma_wait3A_211 : memref<128x128xf32, #tpu.memory_space<vmem>>)
        tpu.yield
      }) : () -> ()
      %dma_start3A_171 = arith.constant 0 : i32
      %dma_start3A_172 = arith.constant 0 : i32
      %dma_start3A_173 = tpu.memref_slice %arg3[%dma_start3A_171, %dma_start3A_172] : memref<1000000x128xf32, #tpu.memory_space<hbm>> -> memref<1000000x128xf32, #tpu.memory_space<hbm>>
      tpu.enqueue_indirect_dma source(%dma_start3A_173 : memref<1000000x128xf32, #tpu.memory_space<hbm>>) target(%arg10 : memref<256x128xf32, #tpu.memory_space<vmem>>) offsets(%arg6 : memref<256xi32, #tpu.memory_space<vmem>>) semaphore(%arg14 : memref<!tpu.dma_semaphore, #tpu.memory_space<semaphore_mem>>) {add = true}
      %mul3A_174 = arith.constant 1024 : i32
      %mul3A_175 = arith.muli %select_n3A_30, %mul3A_174 : i32
      %add3A_176 = arith.constant 512 : i32
      %add3A_177 = arith.addi %mul3A_175, %add3A_176 : i32
      %dma_wait3A_178 = arith.constant 0 : i32
      %dma_wait3A_179 = arith.constant 0 : i32
      %dma_wait3A_180 = tpu.memref_slice %arg3[%dma_wait3A_178, %dma_wait3A_179] : memref<1000000x128xf32, #tpu.memory_space<hbm>> -> memref<1000000x128xf32, #tpu.memory_space<hbm>>
      tpu.wait_indirect_dma semaphore(%arg16 : memref<!tpu.dma_semaphore, #tpu.memory_space<semaphore_mem>>) src(%dma_wait3A_180 : memref<1000000x128xf32, #tpu.memory_space<hbm>>) dst(%arg12 : memref<256x128xf32, #tpu.memory_space<vmem>>)
      "tpu.region"() ({
        %run_scoped3A = tpu.sem_alloc : memref<!tpu.dma_semaphore, #tpu.memory_space<semaphore_mem>>
        %dma_start3A_188 = arith.constant 0 : i32
        %dma_start3A_189 = tpu.memref_slice %arg5[%add3A_39, %add3A_177, %dma_start3A_188] : memref<200x4096x128xf32, #tpu.memory_space<hbm>> -> memref<1x256x128xf32, #tpu.memory_space<hbm>>
        %dma_start3A_190 = tpu.memref_squeeze %dma_start3A_189 : memref<1x256x128xf32, #tpu.memory_space<hbm>> -> memref<256x128xf32, #tpu.memory_space<hbm>>
        %dma_start3A_191 = arith.constant 0 : i32
        %dma_start3A_192 = tpu.memref_slice %arg5[%add3A_39, %add3A_177, %dma_start3A_191] : memref<200x4096x128xf32, #tpu.memory_space<hbm>> -> memref<1x256x128xf32, #tpu.memory_space<hbm>>
        %dma_start3A_193 = tpu.memref_squeeze %dma_start3A_192 : memref<1x256x128xf32, #tpu.memory_space<hbm>> -> memref<256x128xf32, #tpu.memory_space<hbm>>
        tpu.enqueue_dma source(%arg12 : memref<256x128xf32, #tpu.memory_space<vmem>>) target(%dma_start3A_193 : memref<256x128xf32, #tpu.memory_space<hbm>>) target_semaphore(%run_scoped3A : memref<!tpu.dma_semaphore, #tpu.memory_space<semaphore_mem>>)
        %dma_wait3A_194 = arith.constant 0 : i32
        %dma_wait3A_195 = tpu.memref_slice %arg5[%add3A_39, %add3A_177, %dma_wait3A_194] : memref<200x4096x128xf32, #tpu.memory_space<hbm>> -> memref<1x256x128xf32, #tpu.memory_space<hbm>>
        %dma_wait3A_196 = tpu.memref_squeeze %dma_wait3A_195 : memref<1x256x128xf32, #tpu.memory_space<hbm>> -> memref<256x128xf32, #tpu.memory_space<hbm>>
        %dma_wait3A_197 = arith.constant 0 : i32
        %dma_wait3A_198 = tpu.memref_slice %arg5[%add3A_39, %add3A_177, %dma_wait3A_197] : memref<200x4096x128xf32, #tpu.memory_space<hbm>> -> memref<1x256x128xf32, #tpu.memory_space<hbm>>
        %dma_wait3A_199 = tpu.memref_squeeze %dma_wait3A_198 : memref<1x256x128xf32, #tpu.memory_space<hbm>> -> memref<256x128xf32, #tpu.memory_space<hbm>>
        tpu.wait_dma2 semaphore(%run_scoped3A : memref<!tpu.dma_semaphore, #tpu.memory_space<semaphore_mem>>) src(%arg12 : memref<256x128xf32, #tpu.memory_space<vmem>>) dst(%dma_wait3A_199 : memref<256x128xf32, #tpu.memory_space<hbm>>)
        tpu.yield
      }) : () -> ()
      %mul3A_181 = arith.constant 1024 : i32
      %mul3A_182 = arith.muli %select_n3A_30, %mul3A_181 : i32
      %add3A_183 = arith.constant 768 : i32
      %add3A_184 = arith.addi %mul3A_182, %add3A_183 : i32
      %dma_wait3A_185 = arith.constant 0 : i32
      %dma_wait3A_186 = arith.constant 0 : i32
      %dma_wait3A_187 = tpu.memref_slice %arg3[%dma_wait3A_185, %dma_wait3A_186] : memref<1000000x128xf32, #tpu.memory_space<hbm>> -> memref<1000000x128xf32, #tpu.memory_space<hbm>>
      tpu.wait_indirect_dma semaphore(%arg14 : memref<!tpu.dma_semaphore, #tpu.memory_space<semaphore_mem>>) src(%dma_wait3A_187 : memref<1000000x128xf32, #tpu.memory_space<hbm>>) dst(%arg10 : memref<256x128xf32, #tpu.memory_space<vmem>>)
      "tpu.region"() ({
        %run_scoped3A = tpu.sem_alloc : memref<!tpu.dma_semaphore, #tpu.memory_space<semaphore_mem>>
        %dma_start3A_188 = arith.constant 0 : i32
        %dma_start3A_189 = tpu.memref_slice %arg5[%add3A_39, %add3A_184, %dma_start3A_188] : memref<200x4096x128xf32, #tpu.memory_space<hbm>> -> memref<1x256x128xf32, #tpu.memory_space<hbm>>
        %dma_start3A_190 = tpu.memref_squeeze %dma_start3A_189 : memref<1x256x128xf32, #tpu.memory_space<hbm>> -> memref<256x128xf32, #tpu.memory_space<hbm>>
        %dma_start3A_191 = arith.constant 0 : i32
        %dma_start3A_192 = tpu.memref_slice %arg5[%add3A_39, %add3A_184, %dma_start3A_191] : memref<200x4096x128xf32, #tpu.memory_space<hbm>> -> memref<1x256x128xf32, #tpu.memory_space<hbm>>
        %dma_start3A_193 = tpu.memref_squeeze %dma_start3A_192 : memref<1x256x128xf32, #tpu.memory_space<hbm>> -> memref<256x128xf32, #tpu.memory_space<hbm>>
        tpu.enqueue_dma source(%arg10 : memref<256x128xf32, #tpu.memory_space<vmem>>) target(%dma_start3A_193 : memref<256x128xf32, #tpu.memory_space<hbm>>) target_semaphore(%run_scoped3A : memref<!tpu.dma_semaphore, #tpu.memory_space<semaphore_mem>>)
        %dma_wait3A_194 = arith.constant 0 : i32
        %dma_wait3A_195 = tpu.memref_slice %arg5[%add3A_39, %add3A_184, %dma_wait3A_194] : memref<200x4096x128xf32, #tpu.memory_space<hbm>> -> memref<1x256x128xf32, #tpu.memory_space<hbm>>
        %dma_wait3A_196 = tpu.memref_squeeze %dma_wait3A_195 : memref<1x256x128xf32, #tpu.memory_space<hbm>> -> memref<256x128xf32, #tpu.memory_space<hbm>>
        %dma_wait3A_197 = arith.constant 0 : i32
        %dma_wait3A_198 = tpu.memref_slice %arg5[%add3A_39, %add3A_184, %dma_wait3A_197] : memref<200x4096x128xf32, #tpu.memory_space<hbm>> -> memref<1x256x128xf32, #tpu.memory_space<hbm>>
        %dma_wait3A_199 = tpu.memref_squeeze %dma_wait3A_198 : memref<1x256x128xf32, #tpu.memory_space<hbm>> -> memref<256x128xf32, #tpu.memory_space<hbm>>
        tpu.wait_dma2 semaphore(%run_scoped3A : memref<!tpu.dma_semaphore, #tpu.memory_space<semaphore_mem>>) src(%arg10 : memref<256x128xf32, #tpu.memory_space<vmem>>) dst(%dma_wait3A_199 : memref<256x128xf32, #tpu.memory_space<hbm>>)
        tpu.yield
      }) : () -> ()
    }
    %scan3A_35 = arith.constant 25 : i32
    return
  }
}

</mosaic_0001>

<sc_bundles>
// kernel: kernel.3.cloned.1.call-start
scs
__scs_entry_jumppad:
0x0: {  	(pc) =	sbr.rel $0x88, $3  }
0x1: {  	(tag) =	ssettag $0x0;
	lr =	simm.s32 $0x1  }
0x2: {  	[smem:$0x3F9E] =	sst lr;
	_ =	strace $0xD0000000  }
0x3: {  	_ = 	snop  }
0x4: {  	_ = 	snop  }
0x5: {  	_ = 	snop  }
0x6: {  	_ = 	snop  }
0x7: {  	_ = 	snop  }
__scs_overlays_trampoline_lowered:
0x8: {  	[smem:$0x3FAD] =	sst s0  }
0x9: {  	[smem:$0x3FAE] =	sst s1  }
0xa: {  	[smem:$0x3FAF] =	sst s2  }
0xb: {  	[smem:$0x3FB0] =	sst s3  }
0xc: {  	[smem:$0x3FB1] =	sst s4  }
0xd: {  	[smem:$0x3FB2] =	sst s5  }
0xe: {  	[smem:$0x3FB3] =	sst s6  }
0xf: {  	[smem:$0x3FB4] =	sst s7  }
0x10: {  	[smem:$0x3FB5] =	sst s8  }
0x11: {  	[smem:$0x3FB6] =	sst s9;
	s0 =	simm.s32 @!p0 $0x0  }
0x12: {  	s1 =	sld [smem:$0x3F9C];
	s0 =	simm.s32 @p0 $0x1  }
0x13: {  	[smem:$0x3FB7] =	sst s0;
	s0 =	simm.s32 @!p1 $0x0  }
0x14: {  	s2 =	sld [smem:$0x3F9B];
	s0 =	simm.s32 @p1 $0x1  }
0x15: {  	[smem:$0x3FB8] =	sst s0;
	s0 =	simm.s32 @!p2 $0x0  }
0x16: {  	s3 =	sld [smem:$0x3FDB];
	s0 =	simm.s32 @p2 $0x1  }
0x17: {  	s4 =	simm.s32 $0x1BF5;
	[smem:$0x3FBA] =	sst s0  }
0x18: {  	s0 =	sld [smem:$0x3F9D];
	_ =	swait.ge [sflag:s4], $0x0  }
0x19: {  	s7 =	sld [smem:$0x3F9E]  }
0x1a: {  	s8 =	sadd.s32 $0xFFFFE003, lr  }
0x1b: {  	s9 =	sadd.s32 $0xFFFFFEF7, lr;
	s5 =	simm.s32 $0xFFFFFFFF;
	p2 =	slt.u32 s8, $0xFFFFF086  }
0x1c: {  	p1 =	slt.u32 s9, $0xF7A;
	s5 =	simm.s32 @!p2 $0x0  }
0x1d: {  	s5 =	simm.s32 @p1 $0x1;
	p0 =	seq.s32 s7, s2  }
0x1e: {  	s7 =	smul.u32 @!p0 $0xF7A, s2;
	p2 =	seq.s32 @!p0 s5, $0x0  }
0x1f: {  	s9 =	smul.u32 $0xF7A, s1;
	s8 =	simm.s32 @!p0 $0x1BF5;
	p2 =	por !p2, p0  }
0x20: {  	[sflag:s8] =	ssyncset.s32 @!p0 $0xFFFFF086;
	s6 =	sadd.s32 @!p0 s3, s7;
	s7 =	simm.s32 @!p0 $0x108  }
0x21: {  	s3 =	sadd.s32 s3, s9;
	s6 =	sadd.s32 @!p0 $0x88, s6;
	s7 =	simm.s32 @p2 $0x1082  }
0x22: {  	[simem:s7], [sflag:s8] =	dma.local @!p0 [hbm:s6], $0xF7A  }
0x23: {  	s9 =	sor.u32 $0xD0000000, s2;
	s6 =	simm.s32 $0x108;
	_ =	swait.ge @!p0 [sflag:s8], $0x0  }
0x24: {  	s3 =	sadd.s32 $0x88, s3;
	s6 =	simm.s32 @!p1 $0x1082;
	[sflag:s4] =	ssyncset.s32 $0xFFFFF086  }
0x25: {  	[simem:s6], [sflag:s4] =	dma.local [hbm:s3], $0xF7A  }
0x26: {  	[smem:$0x3F9E] =	sst s1;
	(tag) =	ssettag s2;
	_ =	strace s9  }
0x27: {  	s1 =	sld [smem:$0x3FAE]  }
0x28: {  	s2 =	sld [smem:$0x3FAF]  }
0x29: {  	s4 =	sld [smem:$0x3FB1]  }
0x2a: {  	p0 =	seq.s32 s5, $0x0;
	s5 =	sld [smem:$0x3FB2]  }
0x2b: {  	s6 =	sld [smem:$0x3FB3]  }
0x2c: {  	s7 =	sld [smem:$0x3FB4]  }
0x2d: {  	s3 =	simm.s32 $0x108;
	s8 =	sld [smem:$0x3FB5]  }
0x2e: {  	s3 =	simm.s32 @!p0 $0x1082;
	s9 =	sld [smem:$0x3FB6]  }
0x2f: {  	lr =	sadd.s32 s0, s3;
	s0 =	sld [smem:$0x3FAD]  }
0x30: {  	s3 =	sld [smem:$0x3FB0]  }
0x31: {  	[smem:$0x3FB9] =	sst s10  }
0x32: {  	s10 =	sld [smem:$0x3FB7];
	_ =	sdelay $0x3  }
0x33: {  	p0 =	seq.s32 s10, $0x1;
	s10 =	sld [smem:$0x3FB9];
	_ =	sdelay $0x3  }
0x34: {  	[smem:$0x3FB9] =	sst s10  }
0x35: {  	s10 =	sld [smem:$0x3FB8];
	_ =	sdelay $0x3  }
0x36: {  	p1 =	seq.s32 s10, $0x1;
	s10 =	sld [smem:$0x3FB9];
	_ =	sdelay $0x3  }
0x37: {  	[smem:$0x3FB9] =	sst s10  }
0x38: {  	s10 =	sld [smem:$0x3FBA]  }
0x39: {  	_ = 	snop;
	(pc) =	sbr.ind lr, $3  }
0x3a: {  	_ = 	snop  }
0x3b: {  	_ = 	snop  }
0x3c: {  	p2 =	seq.s32 s10, $0x1;
	s10 =	sld [smem:$0x3FB9]  }
0x3d: {  	_ =	shalt  }
0x3e: {  	_ =	shalt  }
0x3f: {  	_ =	shalt  }
0x40: {  	_ =	shalt  }
0x41: {  	_ =	shalt  }
0x42: {  	_ =	shalt  }
0x43: {  	_ =	shalt  }
0x44: {  	_ =	shalt  }
0x45: {  	_ =	shalt  }
0x46: {  	_ =	shalt  }
0x47: {  	_ =	shalt  }
0x48: {  	_ =	shalt  }
0x49: {  	_ =	shalt  }
0x4a: {  	_ =	shalt  }
0x4b: {  	_ =	shalt  }
0x4c: {  	_ =	shalt  }
0x4d: {  	_ =	shalt  }
0x4e: {  	_ =	shalt  }
0x4f: {  	_ =	shalt  }
0x50: {  	_ =	shalt  }
0x51: {  	_ =	shalt  }
0x52: {  	_ =	shalt  }
0x53: {  	_ =	shalt  }
0x54: {  	_ =	shalt  }
0x55: {  	_ =	shalt  }
0x56: {  	_ =	shalt  }
0x57: {  	_ =	shalt  }
0x58: {  	_ =	shalt  }
0x59: {  	_ =	shalt  }
0x5a: {  	_ =	shalt  }
0x5b: {  	_ =	shalt  }
0x5c: {  	_ =	shalt  }
0x5d: {  	_ =	shalt  }
0x5e: {  	_ =	shalt  }
0x5f: {  	_ =	shalt  }
0x60: {  	_ =	shalt  }
0x61: {  	_ =	shalt  }
0x62: {  	_ =	shalt  }
0x63: {  	_ =	shalt  }
0x64: {  	_ =	shalt  }
0x65: {  	_ =	shalt  }
0x66: {  	_ =	shalt  }
0x67: {  	_ =	shalt  }
0x68: {  	_ =	shalt  }
0x69: {  	_ =	shalt  }
0x6a: {  	_ =	shalt  }
0x6b: {  	_ =	shalt  }
0x6c: {  	_ =	shalt  }
0x6d: {  	_ =	shalt  }
0x6e: {  	_ =	shalt  }
0x6f: {  	_ =	shalt  }
0x70: {  	_ =	shalt  }
0x71: {  	_ =	shalt  }
0x72: {  	_ =	shalt  }
0x73: {  	_ =	shalt  }
0x74: {  	_ =	shalt  }
0x75: {  	_ =	shalt  }
0x76: {  	_ =	shalt  }
0x77: {  	_ =	shalt  }
0x78: {  	_ =	shalt  }
0x79: {  	_ =	shalt  }
0x7a: {  	_ =	shalt  }
0x7b: {  	_ =	shalt  }
0x7c: {  	_ =	shalt  }
0x7d: {  	_ =	shalt  }
0x7e: {  	_ =	shalt  }
0x7f: {  	_ =	shalt  }
0x80: {  	_ =	shalt  }
0x81: {  	_ =	shalt  }
0x82: {  	_ =	shalt  }
0x83: {  	_ =	shalt  }
0x84: {  	_ =	shalt  }
0x85: {  	_ =	shalt  }
0x86: {  	_ =	shalt  }
0x87: {  	_ =	shalt  }
.Lfunc_end0:
.L_simem_size_0:
called_computation.1_lowered:
.L_overlay_start_0:
0x88: {  	s2 =	sld [smem:$0x3FD9]  }
0x89: {  	s3 =	sld [smem:$0x3FFE];
	_ =	sdelay $0x1  }
0x8a: {  	s1 =	srdreg.scid  }
0x8b: {  	s0 =	sand.u32 $0x1, s1  }
0x8c: {  	s17 =	sshll.u32 s0, $0xA;
	s2 =	sadd.s32 s3, s2  }
0x8d: {  	s2 =	sadd.s32 s2, s17  }
0x8e: {  	[smem:$0x3FC5] =	sst s2  }
0x8f: {  	_ = 	snop  }
0x90: {  	s2 =	sld [smem:$0x3FC9]  }
0x91: {  	s18 =	sld [smem:$0x3FD0];
	(tm) =	ssettm $0x1  }
0x92: {  	s4 =	sld [smem:$0x3FFB];
	_ =	sdelay $0x3  }
0x93: {  	_ =	strace s4  }
0x94: {  	s4 =	sld [smem:$0x3FFC];
	_ =	sdelay $0x3  }
0x95: {  	_ =	strace s4  }
0x96: {  	s4 =	sld [smem:$0x3FFD];
	_ =	sdelay $0x3  }
0x97: {  	_ =	strace s4  }
0x98: {  	_ =	strace $0x8FFFFFFF  }
0x99: {  	s19 =	sld [smem:$0x3FDB];
	_ =	sdelay $0x1  }
0x9a: {  	s5 =	simm.s32 $_scs_section_size  }
0x9b: {  	s6 =	simm.s32 $_size__tile_overlayer_lowered;
	s7 =	simm.s32 $_tile_overlayer_lowered  }
0x9c: {  	s22 =	simm.s32 $0x1BFF;
	s21 =	sshll.u32 s7, $0x1;
	s4 =	sadd.s32 s5, s19  }
0x9d: {  	s8 =	simm.s32 $0x0;
	s20 =	sshll.u32 s6, $0x1;
	s6 =	sadd.s32 s21, s4  }
0x9e: {  	[timem:s8], [sflag:s22] =	dma.local [hbm:s6], s20  }
0x9f: {  	_ =	swait.ge [sflag:s22], s20  }
0xa0: {  	s5 =	ssub.s32 $0x0, s20;
	[sflag:s22] =	ssyncset.done $0x0  }
0xa1: {  	[sflag:s22] =	ssyncadd.s32 s5;
	_ =	sdelay $0x1  }
0xa2: {  	s23 =	simm.s32 $0x1B8B  }
0xa3: {  	_ =	swait.ge [sflag:s23], $0x1  }
0xa4: {  	[sflag:s23] =	ssyncset.done $0x0  }
0xa5: {  	s25 =	simm.s32 $0x1B8E;
	s24 =	sld [smem:$0x3FFE];
	[sflag:s23] =	ssyncadd.s32 $0xFFFFFFFF  }
0xa6: {  	s26 =	simm.s32 $execute0_lowered;
	[smem:$0x3FD2] =	sst s25  }
0xa7: {  	s6 =	sshll.u32 s26, $0x1;
	_ =	strace $0x80000046;
	[dreg:$0x1] =	wrdreg $0xFFFFFFFF  }
0xa8: {  	s28 =	simm.s32 $_size_execute0_lowered;
	s4 =	sadd.s32 s4, s6;
	[dreg:$0x0] =	wrdreg $0x0  }
0xa9: {  	s6 =	sshll.u32 s28, $0x1;
	[dreg:$0x2] =	wrdreg s4  }
0xaa: {  	[dreg:$0x3] =	wrdreg s6  }
0xab: {  	[dreg:$0x4] =	wrdreg $0xC0  }
0xac: {  	_ =	task [dreg:s8], $0x5FFFF  }
0xad: {  	[dreg:$0x1] =	wrdreg $0xFFFFFFFF  }
0xae: {  	[dreg:$0x0] =	wrdreg $0x60  }
0xaf: {  	[dreg:$0x2] =	wrdreg s2  }
0xb0: {  	[dreg:$0x3] =	wrdreg s24  }
0xb1: {  	[dreg:$0x4] =	wrdreg s18  }
0xb2: {  	[dreg:$0x5] =	wrdreg $0x184000  }
0xb3: {  	[dreg:$0x6] =	wrdreg $0x9  }
0xb4: {  	_ =	task.clear_ibuf [dreg:s8], $0x7FFFF;
	_ =	strace $0x90000046  }
0xb5: {  	s29 =	simm.s32 $0x9;
	_ =	strace $0x80000048  }
0xb6: {  	_ =	swait.ge [sflag:s29], $0x1  }
0xb7: {  	[sflag:s29] =	ssyncadd.s32 $0xFFFFFFFF  }
0xb8: {  	_ =	strace $0x90000048  }
0xb9: {  	_ =	sfence  }
0xba: {  	s30 =	sld [smem:$0x0];
	_ =	sdelay $0x2  }
0xbb: {  	s31 =	sshll.u32 s1, $0xD;
	s1 =	sshrl.u32 s1, $0x2  }
0xbc: {  	s3 =	sand.u32 $0x4000, s31;
	s1 =	sadd.s32 s1, s30  }
0xbd: {  	s0 =	sor.u32 s3, s0;
	s1 =	sshll.u32 s1, $0x11  }
0xbe: {  	s0 =	sor.u32 s1, s0  }
0xbf: {  	s0 =	sadd.s32 $0x8F2B, s0  }
0xc0: {  	[sflag:s0] =	ssyncadd.remote.s32 $0x1  }
0xc1: {  	_ =	sfence.sel $0xFFFF  }
0xc2: {  	[dreg:$0x0] =	wrdreg $0xFFFFFFFF;
	(pc) =	sbr.abs _section_cstart, $3  }
0xc3: {  	[dreg:$0x1] =	wrdreg $0xFFFFFFFF  }
0xc4: {  	_ =	task.clear_ibuf [dreg:s8], $0x2FFFF;
	_ =	strace $0x9FFFFFFF  }
0xc5: {  	(tm) =	ssettm $0x7FFFFFFF  }
tec
execute0_lowered:
.L_overlay_start_1:
0x0: {  	(tag) =	ssettag $0x1  }
0x1: {  	s1 =	rddreg [dreg:$0x0]  }
0x2: {  	s3 =	rddreg [dreg:$0x1]  }
0x3: {  	s0 =	rddreg [dreg:$0x2]  }
0x4: {  	s6 =	rddreg [dreg:$0x3];
	s5 =	srdreg.scid  }
0x5: {  	s2 =	simm.s32 $0x0;
	s17 =	stileid.u32;
	[dreg:$0x5] =	wrdreg s0  }
0x6: {  	s31 =	simm.s32 $0x300;
	s16 =	simm.s32 $0x100;
	[smem:$0x7FF] =	sst s2  }
0x7: {  	s4 =	sadd.s32 $0xF43000, s3;
	s8 =	sand.u32 $0x1, s5;
	s9 =	sadd.s32 $0xC00, s3  }
0x8: {  	s10 =	sshrl.u32 s17, $0x1;
	s11 =	sshll.u32 s17, $0xE;
	s15 =	sand.u32 $0x1, s17  }
0x9: {  	s17 =	simm.s32 $0x8400;
	_ =	strace $0x80000047;
	s5 =	ssub.s32 $0x2, s8  }
0xa: {  	s18 =	sand.u32 $0x4000, s11;
	s13 =	sshll.u32 s8, $0xD;
	s14 =	smul.u32 $0xC80000, s10  }
0xb: {  	s6 =	sadd.s32 s11, s6;
	s19 =	sshll.u32 s15, $0x12;
	s8 =	sshll.u32 s8, $0x11  }
0xc: {  	[dreg:$0xd] =	wrdreg s31;
	s15 =	simm.s32 $0x4400;
	s7 =	sshrl.u32 s5, $0x1  }
0xd: {  	s12 =	ssub.s32 s5, s7;
	s5 =	smul.u32 $0x19, s10;
	s7 =	sor.u32 s18, s13  }
0xe: {  	s11 =	sor.u32 s19, s14;
	s14 =	simm.s32 $0x4;
	s18 =	simm.s32 $0xC400  }
0xf: {  	s19 =	simm.s32 $0x10400;
	s13 =	sor.u32 $0x800, s7;
	[dreg:$0xe] =	wrdreg s18  }
0x10: {  	s20 =	sor.u32 $0x1000, s7;
	s8 =	sor.u32 s8, s11;
	[dreg:$0x6] =	wrdreg s13  }
0x11: {  	s21 =	sor.u32 $0x1800, s7;
	s18 =	simm.s32 $0x200;
	[dreg:$0x7] =	wrdreg s20  }
0x12: {  	s22 =	sor.u32 $0x18000, s8;
	[dreg:$0x8] =	wrdreg s21;
	s24 =	sor.u32 $0x10000, s8  }
0x13: {  	s25 =	sor.u32 $0x8000, s8;
	s30 =	sshrl.u32 s8, $0x3;
	s8 =	smax.u32 s12, $0x1  }
0x14: {  	s12 =	simm.s32 $0x400;
	s20 =	simm.s32 $0x14400;
	s21 =	simm.s32 $0x3  }
0x15: {  	s23 =	sshrl.u32 s22, $0x3;
	s13 =	sshrl.u32 s24, $0x3;
	s28 =	sshrl.u32 s25, $0x3  }
0x16: {  	[dreg:$0xf] =	wrdreg s20;
	s20 =	simm.s32 $0x2;
	s11 =	sadd.s32 s23, s9  }
0x17: {  	s22 =	simm.s32 $0x0;
	s26 =	sadd.s32 s13, s9;
	[dreg:$0x9] =	wrdreg s11  }
0x18: {  	s29 =	sadd.s32 s28, s9;
	s9 =	sadd.s32 s30, s9;
	[dreg:$0xa] =	wrdreg s26  }
0x19: {  	s13 =	simm.s32 $0x1;
	[dreg:$0xc] =	wrdreg s9;
	s9 =	smul.u32 $0xC80, s10  }
0x1a: {  	[dreg:$0xb] =	wrdreg s29;
	s10 =	smul.u32 $0x19000, s10;
	s11 =	simm.s32 $0x80  }
.LBB2_1:
0x1b: {  	v0 =	vmov s5  }
0x1c: {  	[tilespmem:$0x3D0] =	vst v0  }
0x1d: {  	[tilespmem:$0x3C0] =	vst v0  }
0x1e: {  	[tilespmem:$0x3B0] =	vst v0  }
0x1f: {  	[tilespmem:$0x3A0] =	vst v0  }
0x20: {  	[tilespmem:$0x390] =	vst v0  }
0x21: {  	[tilespmem:$0x300] =	vst v0  }
0x22: {  	[tilespmem:$0x310] =	vst v0  }
0x23: {  	[tilespmem:$0x320] =	vst v0  }
0x24: {  	[tilespmem:$0x330] =	vst v0  }
0x25: {  	[tilespmem:$0x340] =	vst v0  }
0x26: {  	[tilespmem:$0x350] =	vst v0  }
0x27: {  	[tilespmem:$0x360] =	vst v0  }
0x28: {  	[tilespmem:$0x370] =	vst v0  }
0x29: {  	[tilespmem:$0x380] =	vst v0  }
0x2a: {  	s23 =	rddreg [dreg:$0xd];
	[tilespmem:$0x3F0] =	vst v0  }
0x2b: {  	s24 =	rddreg [dreg:$0x5];
	[tilespmem:$0x3E0] =	vst v0  }
0x2c: {  	[tilespmem:s12], [sflag:$0x1] =	stream.indirect.gather [hbm4b:s24+s11], $0x80, s23, s11, $0xb8;
	[tilespmem:$0x1C400] =	vst v63  }
0x2d: {  	_ =	swait.ge [sflag:s13], $0x4000  }
0x2e: {  	s23 =	sand.u32 $0x1F8000, s10;
	[sflag:s13] =	ssyncset.done $0x0  }
0x2f: {  	s24 =	sand.u32 $0x380, s9;
	s25 =	sor.u32 s7, s23;
	[sflag:s13] =	ssyncadd.s32 $0xFFFFC000  }
0x30: {  	[spmem:s6] =	stream.linear.scatter [tilespmem:s12], [sflag:$0x4], $0x4000, $0x38;
	[tilespmem:$0x1C400] =	vst v63  }
0x31: {  	s25 =	sor.u32 s24, s25;
	_ =	swait.ge [sflag:s14], $0x4000  }
0x32: {  	s25 =	sshrl.u32 s25, $0x3;
	[sflag:s14] =	ssyncset.done $0x0  }
0x33: {  	s25 =	sadd.s32 s1, s25;
	[sflag:s14] =	ssyncadd.s32 $0xFFFFC000  }
0x34: {  	[tilespmem:s2], [sflag:$0x4] =	stream.strided.gather [hbm4b:s25+s11], $0x100, s12, s11, $0x38;
	[tilespmem:$0x1C400] =	vst v63  }
0x35: {  	_ =	swait.ge [sflag:s14], $0x100  }
0x36: {  	[sflag:s14] =	ssyncset.done $0x0  }
0x37: {  	[sflag:s14] =	ssyncadd.s32 $0xFFFFFF00  }
0x38: {  	[tilespmem:s12], [sflag:$0x4] =	stream.linear.gather [spmem:s6], $0x4000, $0x38;
	[tilespmem:$0x1C400] =	vst v63  }
0x39: {  	_ =	swait.ge [sflag:s14], $0x4000  }
0x3a: {  	[sflag:s14] =	ssyncset.done $0x0  }
0x3b: {  	[sflag:s14] =	ssyncadd.s32 $0xFFFFC000  }
0x3c: {  	[tilespmem:s15], [sflag:$0x4] =	stream.linear.gather [spmem:s6], $0x4000, $0x38;
	[tilespmem:$0x1C400] =	vst v63  }
0x3d: {  	_ =	swait.ge [sflag:s14], $0x4000  }
0x3e: {  	s31 =	rddreg [dreg:$0x6]  }
0x3f: {  	[sflag:s14] =	ssyncset.done $0x0;
	s25 =	sor.u32 s31, s23  }
0x40: {  	[sflag:s14] =	ssyncadd.s32 $0xFFFFC000;
	s25 =	sor.u32 s24, s25  }
0x41: {  	[tilespmem:s12], [sflag:$0x1] =	stream.indirect.gather.add.f32 [hbm:s4], $0x80, s2, s16, $0xb8;
	[tilespmem:$0x1C400] =	vst v63  }
0x42: {  	s25 =	sshrl.u32 s25, $0x3  }
0x43: {  	s25 =	sadd.s32 s1, s25  }
0x44: {  	[tilespmem:s16], [sflag:$0x4] =	stream.strided.gather [hbm4b:s25+s11], $0x100, s12, s11, $0x38;
	[tilespmem:$0x1C400] =	vst v63  }
0x45: {  	_ =	swait.ge [sflag:s14], $0x100  }
0x46: {  	[sflag:s14] =	ssyncset.done $0x0  }
0x47: {  	[sflag:s14] =	ssyncadd.s32 $0xFFFFFF00  }
0x48: {  	[tilespmem:s17], [sflag:$0x4] =	stream.linear.gather [spmem:s6], $0x4000, $0x38;
	[tilespmem:$0x1C400] =	vst v63  }
0x49: {  	_ =	swait.ge [sflag:s14], $0x4000  }
0x4a: {  	[sflag:s14] =	ssyncset.done $0x0  }
0x4b: {  	s0 =	rddreg [dreg:$0xe];
	[sflag:s14] =	ssyncadd.s32 $0xFFFFC000  }
0x4c: {  	[tilespmem:s0], [sflag:$0x4] =	stream.linear.gather [spmem:s6], $0x4000, $0x38;
	[tilespmem:$0x1C400] =	vst v63  }
0x4d: {  	_ =	swait.ge [sflag:s14], $0x4000  }
0x4e: {  	[sflag:s14] =	ssyncset.done $0x0  }
0x4f: {  	[sflag:s14] =	ssyncadd.s32 $0xFFFFC000  }
0x50: {  	[tilespmem:s17], [sflag:$0x2] =	stream.indirect.gather.add.f32 [hbm:s4], $0x80, s16, s16, $0xb8;
	[tilespmem:$0x1C400] =	vst v63  }
0x51: {  	_ =	swait.ge [sflag:s13], $0x8000  }
0x52: {  	s3 =	rddreg [dreg:$0xc];
	[sflag:s13] =	ssyncset.done $0x0  }
0x53: {  	[sflag:s13] =	ssyncadd.s32 $0xFFFF8000;
	s25 =	sadd.s32 $0x0, s3  }
0x54: {  	[hbm4b:s25+s2] =	stream.linear.scatter [tilespmem:s12], [sflag:$0x4], $0x8000, $0x38;
	[tilespmem:$0x1C400] =	vst v63  }
0x55: {  	_ =	swait.ge [sflag:s14], $0x8000  }
0x56: {  	s26 =	rddreg [dreg:$0x7]  }
0x57: {  	s25 =	sor.u32 s26, s23  }
0x58: {  	s25 =	sor.u32 s24, s25  }
0x59: {  	[sflag:s14] =	ssyncset.done $0x0;
	s25 =	sshrl.u32 s25, $0x3  }
0x5a: {  	[sflag:s14] =	ssyncadd.s32 $0xFFFF8000;
	s25 =	sadd.s32 s1, s25  }
0x5b: {  	[tilespmem:s18], [sflag:$0x4] =	stream.strided.gather [hbm4b:s25+s11], $0x100, s12, s11, $0x38;
	[tilespmem:$0x1C400] =	vst v63  }
0x5c: {  	_ =	swait.ge [sflag:s14], $0x100  }
0x5d: {  	[sflag:s14] =	ssyncset.done $0x0  }
0x5e: {  	[sflag:s14] =	ssyncadd.s32 $0xFFFFFF00  }
0x5f: {  	[tilespmem:s19], [sflag:$0x4] =	stream.linear.gather [spmem:s6], $0x4000, $0x38;
	[tilespmem:$0x1C400] =	vst v63  }
0x60: {  	_ =	swait.ge [sflag:s14], $0x4000  }
0x61: {  	[sflag:s14] =	ssyncset.done $0x0  }
0x62: {  	s29 =	rddreg [dreg:$0xf];
	[sflag:s14] =	ssyncadd.s32 $0xFFFFC000  }
0x63: {  	[tilespmem:s29], [sflag:$0x4] =	stream.linear.gather [spmem:s6], $0x4000, $0x38;
	[tilespmem:$0x1C400] =	vst v63  }
0x64: {  	_ =	swait.ge [sflag:s14], $0x4000  }
0x65: {  	[sflag:s14] =	ssyncset.done $0x0  }
0x66: {  	[sflag:s14] =	ssyncadd.s32 $0xFFFFC000  }
0x67: {  	[tilespmem:s19], [sflag:$0x3] =	stream.indirect.gather.add.f32 [hbm:s4], $0x80, s18, s16, $0xb8;
	[tilespmem:$0x1C400] =	vst v63  }
0x68: {  	_ =	swait.ge [sflag:s20], $0x8000  }
0x69: {  	s30 =	rddreg [dreg:$0xb];
	[sflag:s20] =	ssyncset.done $0x0  }
0x6a: {  	[sflag:s20] =	ssyncadd.s32 $0xFFFF8000;
	s25 =	sadd.s32 $0x0, s30  }
0x6b: {  	[hbm4b:s25+s2] =	stream.linear.scatter [tilespmem:s17], [sflag:$0x4], $0x8000, $0x38;
	[tilespmem:$0x1C400] =	vst v63  }
0x6c: {  	_ =	swait.ge [sflag:s14], $0x8000  }
0x6d: {  	s31 =	rddreg [dreg:$0x8]  }
0x6e: {  	s23 =	sor.u32 s31, s23  }
0x6f: {  	s23 =	sor.u32 s24, s23  }
0x70: {  	[sflag:s14] =	ssyncset.done $0x0;
	s23 =	sshrl.u32 s23, $0x3  }
0x71: {  	[sflag:s14] =	ssyncadd.s32 $0xFFFF8000;
	s23 =	sadd.s32 s1, s23  }
0x72: {  	[tilespmem:s2], [sflag:$0x4] =	stream.strided.gather [hbm4b:s23+s11], $0x100, s12, s11, $0x38;
	[tilespmem:$0x1C400] =	vst v63  }
0x73: {  	_ =	swait.ge [sflag:s14], $0x100  }
0x74: {  	[sflag:s14] =	ssyncset.done $0x0  }
0x75: {  	[sflag:s14] =	ssyncadd.s32 $0xFFFFFF00  }
0x76: {  	[tilespmem:s12], [sflag:$0x4] =	stream.linear.gather [spmem:s6], $0x4000, $0x38;
	[tilespmem:$0x1C400] =	vst v63  }
0x77: {  	_ =	swait.ge [sflag:s14], $0x4000  }
0x78: {  	[sflag:s14] =	ssyncset.done $0x0  }
0x79: {  	[sflag:s14] =	ssyncadd.s32 $0xFFFFC000  }
0x7a: {  	[tilespmem:s15], [sflag:$0x4] =	stream.linear.gather [spmem:s6], $0x4000, $0x38;
	[tilespmem:$0x1C400] =	vst v63  }
0x7b: {  	_ =	swait.ge [sflag:s14], $0x4000  }
0x7c: {  	s28 =	smov.u32 s10;
	[sflag:s14] =	ssyncset.done $0x0  }
0x7d: {  	s26 =	smov.u32 s9;
	s25 =	sadd.s32 $0x1, s5;
	[sflag:s14] =	ssyncadd.s32 $0xFFFFC000  }
0x7e: {  	[tilespmem:s12], [sflag:$0x1] =	stream.indirect.gather.add.f32 [hbm:s4], $0x80, s2, s16, $0xb8;
	[tilespmem:$0x1C400] =	vst v63  }
0x7f: {  	s24 =	simm.s32 $0x10000;
	s23 =	simm.s32 $0x0;
	_ =	swait.ge [sflag:s21], $0x8000  }
.LBB2_2:
0x80: {  	s29 =	rddreg [dreg:$0xa];
	[sflag:s21] =	ssyncset.done $0x0  }
0x81: {  	[sflag:s21] =	ssyncadd.s32 $0xFFFF8000;
	s29 =	sadd.s32 s23, s29  }
0x82: {  	[hbm4b:s29+s2] =	stream.linear.scatter [tilespmem:s19], [sflag:$0x4], $0x8000, $0x38;
	[tilespmem:$0x1C400] =	vst v63  }
0x83: {  	_ =	swait.ge [sflag:s14], $0x8000  }
0x84: {  	[sflag:s14] =	ssyncset.done $0x0  }
0x85: {  	[sflag:s14] =	ssyncadd.s32 $0xFFFF8000  }
0x86: {  	_ =	swait.ge [sflag:s13], $0x8000  }
0x87: {  	s0 =	rddreg [dreg:$0x9];
	[sflag:s13] =	ssyncset.done $0x0  }
0x88: {  	[sflag:s13] =	ssyncadd.s32 $0xFFFF8000;
	s29 =	sadd.s32 s23, s0  }
0x89: {  	[hbm4b:s29+s2] =	stream.linear.scatter [tilespmem:s12], [sflag:$0x4], $0x8000, $0x38;
	[tilespmem:$0x1C400] =	vst v63  }
0x8a: {  	_ =	swait.ge [sflag:s14], $0x8000  }
0x8b: {  	[sflag:s14] =	ssyncset.done $0x0  }
0x8c: {  	v0 =	vmov s25;
	[sflag:s14] =	ssyncadd.s32 $0xFFFF8000  }
0x8d: {  	[tilespmem:$0x3D0] =	vst v0  }
0x8e: {  	[tilespmem:$0x3C0] =	vst v0  }
0x8f: {  	[tilespmem:$0x3B0] =	vst v0  }
0x90: {  	[tilespmem:$0x3A0] =	vst v0  }
0x91: {  	[tilespmem:$0x390] =	vst v0  }
0x92: {  	[tilespmem:$0x300] =	vst v0  }
0x93: {  	[tilespmem:$0x310] =	vst v0  }
0x94: {  	[tilespmem:$0x320] =	vst v0  }
0x95: {  	[tilespmem:$0x330] =	vst v0  }
0x96: {  	[tilespmem:$0x340] =	vst v0  }
0x97: {  	[tilespmem:$0x350] =	vst v0  }
0x98: {  	[tilespmem:$0x360] =	vst v0  }
0x99: {  	[tilespmem:$0x370] =	vst v0  }
0x9a: {  	[tilespmem:$0x380] =	vst v0  }
0x9b: {  	s31 =	rddreg [dreg:$0xd];
	[tilespmem:$0x3F0] =	vst v0  }
0x9c: {  	s26 =	sadd.s32 $0x80, s26;
	s0 =	rddreg [dreg:$0x5];
	[tilespmem:$0x3E0] =	vst v0  }
0x9d: {  	[tilespmem:s12], [sflag:$0x1] =	stream.indirect.gather [hbm4b:s0+s11], $0x80, s31, s11, $0xb8;
	[tilespmem:$0x1C400] =	vst v63  }
0x9e: {  	s28 =	sadd.s32 $0x1000, s28;
	s30 =	smov.u32 s24;
	_ =	swait.ge [sflag:s13], $0x4000  }
0x9f: {  	s23 =	smov.u32 s30;
	s29 =	sand.u32 $0x1F8000, s28;
	[sflag:s13] =	ssyncset.done $0x0  }
0xa0: {  	s30 =	sand.u32 $0x380, s26;
	s3 =	sor.u32 s7, s29;
	[sflag:s13] =	ssyncadd.s32 $0xFFFFC000  }
0xa1: {  	[spmem:s6] =	stream.linear.scatter [tilespmem:s12], [sflag:$0x4], $0x4000, $0x38;
	[tilespmem:$0x1C400] =	vst v63  }
0xa2: {  	s3 =	sor.u32 s30, s3;
	_ =	swait.ge [sflag:s14], $0x4000  }
0xa3: {  	s3 =	sshrl.u32 s3, $0x3;
	[sflag:s14] =	ssyncset.done $0x0  }
0xa4: {  	s0 =	sadd.s32 s1, s3;
	[sflag:s14] =	ssyncadd.s32 $0xFFFFC000  }
0xa5: {  	[tilespmem:s2], [sflag:$0x4] =	stream.strided.gather [hbm4b:s0+s11], $0x100, s12, s11, $0x38;
	[tilespmem:$0x1C400] =	vst v63  }
0xa6: {  	_ =	swait.ge [sflag:s14], $0x100  }
0xa7: {  	[sflag:s14] =	ssyncset.done $0x0  }
0xa8: {  	[sflag:s14] =	ssyncadd.s32 $0xFFFFFF00  }
0xa9: {  	[tilespmem:s12], [sflag:$0x4] =	stream.linear.gather [spmem:s6], $0x4000, $0x38;
	[tilespmem:$0x1C400] =	vst v63  }
0xaa: {  	_ =	swait.ge [sflag:s14], $0x4000  }
0xab: {  	[sflag:s14] =	ssyncset.done $0x0  }
0xac: {  	[sflag:s14] =	ssyncadd.s32 $0xFFFFC000  }
0xad: {  	[tilespmem:s15], [sflag:$0x4] =	stream.linear.gather [spmem:s6], $0x4000, $0x38;
	[tilespmem:$0x1C400] =	vst v63  }
0xae: {  	_ =	swait.ge [sflag:s14], $0x4000  }
0xaf: {  	s31 =	rddreg [dreg:$0x6]  }
0xb0: {  	[sflag:s14] =	ssyncset.done $0x0;
	s0 =	sor.u32 s31, s29  }
0xb1: {  	[sflag:s14] =	ssyncadd.s32 $0xFFFFC000;
	s0 =	sor.u32 s30, s0  }
0xb2: {  	[tilespmem:s12], [sflag:$0x1] =	stream.indirect.gather.add.f32 [hbm:s4], $0x80, s2, s16, $0xb8;
	[tilespmem:$0x1C400] =	vst v63  }
0xb3: {  	s0 =	sshrl.u32 s0, $0x3  }
0xb4: {  	s0 =	sadd.s32 s1, s0  }
0xb5: {  	[tilespmem:s16], [sflag:$0x4] =	stream.strided.gather [hbm4b:s0+s11], $0x100, s12, s11, $0x38;
	[tilespmem:$0x1C400] =	vst v63  }
0xb6: {  	_ =	swait.ge [sflag:s14], $0x100  }
0xb7: {  	[sflag:s14] =	ssyncset.done $0x0  }
0xb8: {  	[sflag:s14] =	ssyncadd.s32 $0xFFFFFF00  }
0xb9: {  	[tilespmem:s17], [sflag:$0x4] =	stream.linear.gather [spmem:s6], $0x4000, $0x38;
	[tilespmem:$0x1C400] =	vst v63  }
0xba: {  	_ =	swait.ge [sflag:s14], $0x4000  }
0xbb: {  	[sflag:s14] =	ssyncset.done $0x0  }
0xbc: {  	s3 =	rddreg [dreg:$0xe];
	[sflag:s14] =	ssyncadd.s32 $0xFFFFC000  }
0xbd: {  	[tilespmem:s3], [sflag:$0x4] =	stream.linear.gather [spmem:s6], $0x4000, $0x38;
	[tilespmem:$0x1C400] =	vst v63  }
0xbe: {  	_ =	swait.ge [sflag:s14], $0x4000  }
0xbf: {  	[sflag:s14] =	ssyncset.done $0x0  }
0xc0: {  	[sflag:s14] =	ssyncadd.s32 $0xFFFFC000  }
0xc1: {  	[tilespmem:s17], [sflag:$0x2] =	stream.indirect.gather.add.f32 [hbm:s4], $0x80, s16, s16, $0xb8;
	[tilespmem:$0x1C400] =	vst v63  }
0xc2: {  	_ =	swait.ge [sflag:s13], $0x8000  }
0xc3: {  	s31 =	rddreg [dreg:$0xc];
	[sflag:s13] =	ssyncset.done $0x0  }
0xc4: {  	[sflag:s13] =	ssyncadd.s32 $0xFFFF8000;
	s0 =	sadd.s32 s23, s31  }
0xc5: {  	[hbm4b:s0+s2] =	stream.linear.scatter [tilespmem:s12], [sflag:$0x4], $0x8000, $0x38;
	[tilespmem:$0x1C400] =	vst v63  }
0xc6: {  	_ =	swait.ge [sflag:s14], $0x8000  }
0xc7: {  	s3 =	rddreg [dreg:$0x7]  }
0xc8: {  	s0 =	sor.u32 s3, s29  }
0xc9: {  	s0 =	sor.u32 s30, s0  }
0xca: {  	[sflag:s14] =	ssyncset.done $0x0;
	s0 =	sshrl.u32 s0, $0x3  }
0xcb: {  	[sflag:s14] =	ssyncadd.s32 $0xFFFF8000;
	s0 =	sadd.s32 s1, s0  }
0xcc: {  	[tilespmem:s18], [sflag:$0x4] =	stream.strided.gather [hbm4b:s0+s11], $0x100, s12, s11, $0x38;
	[tilespmem:$0x1C400] =	vst v63  }
0xcd: {  	_ =	swait.ge [sflag:s14], $0x100  }
0xce: {  	[sflag:s14] =	ssyncset.done $0x0  }
0xcf: {  	[sflag:s14] =	ssyncadd.s32 $0xFFFFFF00  }
0xd0: {  	[tilespmem:s19], [sflag:$0x4] =	stream.linear.gather [spmem:s6], $0x4000, $0x38;
	[tilespmem:$0x1C400] =	vst v63  }
0xd1: {  	_ =	swait.ge [sflag:s14], $0x4000  }
0xd2: {  	[sflag:s14] =	ssyncset.done $0x0  }
0xd3: {  	s31 =	rddreg [dreg:$0xf];
	[sflag:s14] =	ssyncadd.s32 $0xFFFFC000  }
0xd4: {  	[tilespmem:s31], [sflag:$0x4] =	stream.linear.gather [spmem:s6], $0x4000, $0x38;
	[tilespmem:$0x1C400] =	vst v63  }
0xd5: {  	_ =	swait.ge [sflag:s14], $0x4000  }
0xd6: {  	[sflag:s14] =	ssyncset.done $0x0  }
0xd7: {  	[sflag:s14] =	ssyncadd.s32 $0xFFFFC000  }
0xd8: {  	[tilespmem:s19], [sflag:$0x3] =	stream.indirect.gather.add.f32 [hbm:s4], $0x80, s18, s16, $0xb8;
	[tilespmem:$0x1C400] =	vst v63  }
0xd9: {  	_ =	swait.ge [sflag:s20], $0x8000  }
0xda: {  	s3 =	rddreg [dreg:$0xb];
	[sflag:s20] =	ssyncset.done $0x0  }
0xdb: {  	[sflag:s20] =	ssyncadd.s32 $0xFFFF8000;
	s0 =	sadd.s32 s23, s3  }
0xdc: {  	[hbm4b:s0+s2] =	stream.linear.scatter [tilespmem:s17], [sflag:$0x4], $0x8000, $0x38;
	[tilespmem:$0x1C400] =	vst v63  }
0xdd: {  	_ =	swait.ge [sflag:s14], $0x8000  }
0xde: {  	s31 =	rddreg [dreg:$0x8]  }
0xdf: {  	s0 =	sor.u32 s31, s29  }
0xe0: {  	s0 =	sor.u32 s30, s0  }
0xe1: {  	[sflag:s14] =	ssyncset.done $0x0;
	s0 =	sshrl.u32 s0, $0x3  }
0xe2: {  	[sflag:s14] =	ssyncadd.s32 $0xFFFF8000;
	s0 =	sadd.s32 s1, s0  }
0xe3: {  	[tilespmem:s2], [sflag:$0x4] =	stream.strided.gather [hbm4b:s0+s11], $0x100, s12, s11, $0x38;
	[tilespmem:$0x1C400] =	vst v63  }
0xe4: {  	_ =	swait.ge [sflag:s14], $0x100  }
0xe5: {  	[sflag:s14] =	ssyncset.done $0x0  }
0xe6: {  	[sflag:s14] =	ssyncadd.s32 $0xFFFFFF00  }
0xe7: {  	[tilespmem:s12], [sflag:$0x4] =	stream.linear.gather [spmem:s6], $0x4000, $0x38;
	[tilespmem:$0x1C400] =	vst v63  }
0xe8: {  	_ =	swait.ge [sflag:s14], $0x4000  }
0xe9: {  	[sflag:s14] =	ssyncset.done $0x0  }
0xea: {  	p0 =	sne.s32 s24, $0x180000;
	[sflag:s14] =	ssyncadd.s32 $0xFFFFC000  }
0xeb: {  	[tilespmem:s15], [sflag:$0x4] =	stream.linear.gather [spmem:s6], $0x4000, $0x38;
	[tilespmem:$0x1C400] =	vst v63  }
.Ltmp0:
0xec: {  	_ =	swait.ge [sflag:s14], $0x4000;
	(pc) =	sbr.rel @p0 .LBB2_2-.Ltmp0, $4  }
0xed: {  	[sflag:s14] =	ssyncset.done $0x0  }
0xee: {  	[sflag:s14] =	ssyncadd.s32 $0xFFFFC000  }
0xef: {  	[tilespmem:s12], [sflag:$0x1] =	stream.indirect.gather.add.f32 [hbm:s4], $0x80, s2, s16, $0xb8;
	[tilespmem:$0x1C400] =	vst v63  }
0xf0: {  	s24 =	sadd.s32 $0x10000, s24;
	s25 =	sadd.s32 $0x1, s25;
	_ =	swait.ge [sflag:s21], $0x8000  }
0xf1: {  	s0 =	rddreg [dreg:$0xa];
	[sflag:s21] =	ssyncset.done $0x0  }
0xf2: {  	[sflag:s21] =	ssyncadd.s32 $0xFFFF8000;
	s0 =	sadd.s32 s23, s0  }
0xf3: {  	[hbm4b:s0+s2] =	stream.linear.scatter [tilespmem:s19], [sflag:$0x4], $0x8000, $0x38;
	[tilespmem:$0x1C400] =	vst v63  }
0xf4: {  	_ =	swait.ge [sflag:s14], $0x8000  }
0xf5: {  	[sflag:s14] =	ssyncset.done $0x0  }
0xf6: {  	[sflag:s14] =	ssyncadd.s32 $0xFFFF8000  }
0xf7: {  	s22 =	sadd.s32 $0x1, s22;
	_ =	swait.ge [sflag:s13], $0x8000  }
0xf8: {  	p0 =	sne.s32 s22, s8;
	s31 =	rddreg [dreg:$0x9];
	[sflag:s13] =	ssyncset.done $0x0  }
.Ltmp1:
0xf9: {  	[sflag:s13] =	ssyncadd.s32 $0xFFFF8000;
	s0 =	sadd.s32 s23, s31;
	(pc) =	sbr.rel @p0 .LBB2_1-.Ltmp1, $4  }
0xfa: {  	[hbm4b:s0+s2] =	stream.linear.scatter [tilespmem:s12], [sflag:$0x4], $0x8000, $0x38;
	[tilespmem:$0x1C400] =	vst v63  }
0xfb: {  	_ =	swait.ge [sflag:s14], $0x8000  }
0xfc: {  	[sflag:s14] =	ssyncset.done $0x0  }
0xfd: {  	[sflag:s14] =	ssyncadd.s32 $0xFFFF8000  }
0xfe: {  	_ =	sfence.sel $0x180000  }
0xff: {  	[bflag:$0x0] =	sbarrier.arrive $0xFFFF  }
0x100: {  	_ =	strace $0x90000047  }
0x101: {  	s0 =	stileid.u32;
	[bflag:$0x2] =	sbarrier.arrive $0xFFFF  }
0x102: {  	p0 =	sne.s32 s0, $0x0;
	s0 =	rddreg [dreg:$0x4]  }
0x103: {  	s0 =	sadd.s32 @!p0 $0x100000, s0  }
0x104: {  	[sflag:s0] =	ssyncadd.tile.s32 @!p0 $0x1;
	_ =	shalt  }
.Lfunc_end2:
_tile_overlayer_lowered:
.L_overlay_start_2:
0x105: {  	(tag) =	ssettag $0x2  }
0x106: {  	s0 =	rddreg [dreg:$0x0];
	s2 =	stileid.u32  }
0x107: {  	s1 =	rddreg [dreg:$0x1];
	p0 =	sne.s32 s2, $0x0  }
0x108: {  	s3 =	rddreg [dreg:$0x2];
	[bflag:$0x3] =	sbarrier.arrive $0xFFFF;
	s2 =	simm.s32 @!p0 $0x1C04  }
0x109: {  	[timem:s3], [sflag:s2] =	dma.local @!p0 [hbm:s0], s1  }
0x10a: {  	s0 =	simm.s32 @!p0 $0x4  }
0x10b: {  	_ =	swait.ge @!p0 [sflag:s0], s1  }
0x10c: {  	s1 =	ssub.s32 @!p0 $0x0, s1;
	[sflag:s0] =	ssyncset.done @!p0 $0x0  }
0x10d: {  	[sflag:s0] =	ssyncadd.s32 @!p0 s1  }
0x10e: {  	[bflag:$0x3] =	sbarrier.arrive $0xFFFF  }
0x10f: {  	_ =	shalt  }

// kernel: sparse-core-data-format-call.cloned.1.call-start
scs
called_computation_lowered:
.L_overlay_start_0:
0x0: {  	s2 =	sld [smem:$0x3FD9]  }
0x1: {  	s3 =	sld [smem:$0x3FFE];
	_ =	sdelay $0x1  }
0x2: {  	s1 =	srdreg.scid  }
0x3: {  	s0 =	sand.u32 $0x1, s1  }
0x4: {  	s18 =	sshll.u32 s0, $0xA;
	s2 =	sadd.s32 s3, s2  }
0x5: {  	s2 =	sadd.s32 s2, s18  }
0x6: {  	[smem:$0x3FC5] =	sst s2  }
0x7: {  	_ = 	snop  }
0x8: {  	s2 =	sld [smem:$0x3FD0];
	(tm) =	ssettm $0x1  }
0x9: {  	s19 =	sld [smem:$0x3FFB];
	_ =	sdelay $0x3  }
0xa: {  	_ =	strace s19  }
0xb: {  	s3 =	sld [smem:$0x3FFC];
	_ =	sdelay $0x3  }
0xc: {  	_ =	strace s3  }
0xd: {  	s3 =	sld [smem:$0x3FFD];
	_ =	sdelay $0x3  }
0xe: {  	_ =	strace s3  }
0xf: {  	_ =	strace $0x8FFFFFFF  }
0x10: {  	s20 =	sld [smem:$0x3FDB];
	_ =	sdelay $0x1  }
0x11: {  	s4 =	simm.s32 $_scs_section_size  }
0x12: {  	s5 =	simm.s32 $_size__tile_overlayer_lowered;
	s6 =	simm.s32 $_tile_overlayer_lowered  }
0x13: {  	s23 =	simm.s32 $0x1BFF;
	s22 =	sshll.u32 s6, $0x1;
	s3 =	sadd.s32 s4, s20  }
0x14: {  	s7 =	simm.s32 $0x0;
	s21 =	sshll.u32 s5, $0x1;
	s5 =	sadd.s32 s22, s3  }
0x15: {  	[timem:s7], [sflag:s23] =	dma.local [hbm:s5], s21  }
0x16: {  	_ =	swait.ge [sflag:s23], s21  }
0x17: {  	s4 =	ssub.s32 $0x0, s21;
	[sflag:s23] =	ssyncset.done $0x0  }
0x18: {  	[sflag:s23] =	ssyncadd.s32 s4;
	_ =	sdelay $0x1  }
0x19: {  	s24 =	simm.s32 $0x1B8B  }
0x1a: {  	_ =	swait.ge [sflag:s24], $0x1  }
0x1b: {  	[sflag:s24] =	ssyncset.done $0x0  }
0x1c: {  	s26 =	simm.s32 $0x1B8E;
	s25 =	sld [smem:$0x3FFE];
	[sflag:s24] =	ssyncadd.s32 $0xFFFFFFFF  }
0x1d: {  	s27 =	simm.s32 $execute0_lowered;
	[smem:$0x3FD2] =	sst s26  }
0x1e: {  	s5 =	sshll.u32 s27, $0x1;
	_ =	strace $0x80000049;
	[dreg:$0x1] =	wrdreg $0xFFFFFFFF  }
0x1f: {  	s28 =	simm.s32 $_size_execute0_lowered;
	s3 =	sadd.s32 s3, s5;
	[dreg:$0x0] =	wrdreg $0x0  }
0x20: {  	s5 =	sshll.u32 s28, $0x1;
	[dreg:$0x2] =	wrdreg s3  }
0x21: {  	[dreg:$0x3] =	wrdreg s5  }
0x22: {  	[dreg:$0x4] =	wrdreg $0xC0  }
0x23: {  	_ =	task [dreg:s7], $0x5FFFF  }
0x24: {  	[dreg:$0x1] =	wrdreg $0xFFFFFFFF  }
0x25: {  	[dreg:$0x0] =	wrdreg $0x60  }
0x26: {  	[dreg:$0x2] =	wrdreg s25  }
0x27: {  	[dreg:$0x3] =	wrdreg s2  }
0x28: {  	[dreg:$0x4] =	wrdreg $0x9  }
0x29: {  	_ =	task.clear_ibuf [dreg:s7], $0x5FFFF;
	_ =	strace $0x90000049  }
0x2a: {  	s29 =	simm.s32 $0x9;
	_ =	strace $0x8000004B  }
0x2b: {  	_ =	swait.ge [sflag:s29], $0x1  }
0x2c: {  	[sflag:s29] =	ssyncadd.s32 $0xFFFFFFFF  }
0x2d: {  	_ =	strace $0x9000004B  }
0x2e: {  	_ =	sfence  }
0x2f: {  	s30 =	sld [smem:$0x0];
	_ =	sdelay $0x2  }
0x30: {  	s31 =	sshll.u32 s1, $0xD;
	s1 =	sshrl.u32 s1, $0x2  }
0x31: {  	s3 =	sand.u32 $0x4000, s31;
	s1 =	sadd.s32 s1, s30  }
0x32: {  	s0 =	sor.u32 s3, s0;
	s1 =	sshll.u32 s1, $0x11  }
0x33: {  	s0 =	sor.u32 s1, s0  }
0x34: {  	s0 =	sadd.s32 $0x8F2B, s0  }
0x35: {  	[sflag:s0] =	ssyncadd.remote.s32 $0x1  }
0x36: {  	_ =	sfence.sel $0xFFFF  }
0x37: {  	[dreg:$0x0] =	wrdreg $0xFFFFFFFF;
	(pc) =	sbr.abs _section_cstart, $3  }
0x38: {  	[dreg:$0x1] =	wrdreg $0xFFFFFFFF  }
0x39: {  	_ =	task.clear_ibuf [dreg:s7], $0x2FFFF;
	_ =	strace $0x9FFFFFFF  }
0x3a: {  	(tm) =	ssettm $0x7FFFFFFF  }
0x3b: {  	_ =	shalt  }
tec
execute0_lowered:
.L_overlay_start_1:
0x0: {  	(tag) =	ssettag $0x1  }
0x1: {  	s0 =	srdreg.scid  }
0x2: {  	s1 =	sshll.u32 s0, $0x4  }
0x3: {  	s5 =	rddreg [dreg:$0x0];
	s0 =	stileid.u32;
	s1 =	sand.u32 $0x10, s1  }
0x4: {  	s3 =	rddreg [dreg:$0x1];
	s31 =	simm.s32 $0x2;
	s4 =	sor.u32 s0, s1  }
0x5: {  	s13 =	simm.s32 $0x0;
	s9 =	simm.s32 $0x400;
	s2 =	sshll.u32 s4, $0x7  }
0x6: {  	s10 =	simm.s32 $0x8000;
	s14 =	simm.s32 $0x0;
	s6 =	ssub.s32 $0x1000, s2  }
0x7: {  	s1 =	rddreg [dreg:$0x2];
	_ =	strace $0x8000004A;
	s7 =	sand.u32 $0xF80, s6  }
0x8: {  	s4 =	sshll.u32 s4, $0xB;
	p0 =	sne.s32 s7, $0x0;
	s7 =	simm.s32 $0x1  }
.Ltmp0:
0x9: {  	s6 =	sshrl.u32 s6, $0xC;
	s7 =	simm.s32 @!p0 $0x0;
	(pc) =	sbr.rel .LBB1_1-.Ltmp0, $4  }
0xa: {  	s8 =	sadd.s32 s4, s5;
	s4 =	simm.s32 $0x1;
	s30 =	sadd.s32 s7, s6  }
0xb: {  	s11 =	simm.s32 $0x0;
	[sflag:s4] =	ssyncpa.u1 $0x0;
	s5 =	smul.u32 $0x64, s30  }
0xc: {  	s12 =	simm.s32 $0x0;
	[sflag:s31] =	ssyncpa.u1 $0x0;
	p0 =	por $0x0, $0x0  }
0xd: {  	s6 =	sadd.s32 $0xC80C00, s8;
	s7 =	sadd.s32 $0xC90C00, s8;
	s8 =	sor.u32 $0x1, s5  }
.LBB1_7:
0xe: {  	s15 =	sadd.s32 $0x2, s11  }
0xf: {  	p2 =	sgt.s32 s15, $0xC7  }
0x10: {  	s15 =	simm.s32 @p2 $0x0;
	p2 =	sne.s32 s12, s8  }
.Ltmp1:
0x11: {  	p1 =	slt.u32 s12, $0x2;
	(pc) =	sbr.rel @!p2 .LBB1_8-.Ltmp1, $4  }
0x12: {  	s13 =	simm.s32 @!p1 $0x2  }
0x13: {  	s16 =	sadd.s32 $0x1, s12;
	s14 =	smov.u32 s11;
	_ =	swait.ge @!p1 [sflag:s13], $0x4000  }
0x14: {  	p0 =	por !p0, !p0;
	s12 =	smov.u32 s16;
	[sflag:s13] =	ssyncset.done @!p1 $0x0  }
0x15: {  	s11 =	smov.u32 s15;
	[sflag:s13] =	ssyncadd.s32 @!p1 $0xFFFFC000;
	s13 =	smov.u32 s2  }
.LBB1_1:
0x16: {  	p1 =	sge.u32 s12, s5  }
0x17: {  	s15 =	sxor.u32 @!p1 $0xFFFFFFFF, s12  }
0x18: {  	s16 =	sshll.u32 @!p1 s11, $0x10;
	s18 =	simm.s32 @!p1 $0x40;
	s15 =	sshll.u32 @!p1 s15, $0xE  }
0x19: {  	s19 =	simm.s32 @!p1 $0x80;
	s17 =	sadd.s32 @!p1 s16, s6;
	s15 =	sand.u32 @!p1 $0x4000, s15  }
0x1a: {  	[tilespmem:s15], [sflag:$0x1] =	stream.strided.gather @!p1 [hbm4b:s17+s18], $0x2000, s19, s18, $0x38;
	[tilespmem:$0x10100] =	vst v63  }
0x1b: {  	s31 =	sadd.s32 $0xFFFFFFFF, s12;
	s16 =	sadd.s32 @!p1 s16, s7;
	s15 =	sor.u32 @!p1 $0x2000, s15  }
0x1c: {  	[tilespmem:s15], [sflag:$0x1] =	stream.strided.gather @!p1 [hbm4b:s16+s18], $0x2000, s19, s18, $0x38;
	[tilespmem:$0x10100] =	vst v63  }
0x1d: {  	p1 =	sge.u32 s31, s5  }
.Ltmp2:
0x1e: {  	_ = 	snop;
	(pc) =	sbr.rel @p1 .LBB1_7-.Ltmp2, $1  }
0x1f: {  	_ =	sdelay $0x3  }
0x20: {  	s15 =	simm.s32 $0x1;
	s17 =	sand.u32 $0x1, s12  }
0x21: {  	_ =	swait.ge [sflag:s4], $0x4000;
	s15 =	simm.s32 @!p0 $0x0;
	s17 =	smul.u32 $0x10200, s17  }
0x22: {  	p2 =	por $0x1, $0x1;
	[sflag:s4] =	ssyncset.done $0x0;
	s16 =	smul.u32 $0x10200, s15  }
0x23: {  	s18 =	sshll.u32 s15, $0x10;
	[sflag:s4] =	ssyncadd.s32 $0xFFFFC000;
	s30 =	sshrl.u32 s17, $0x2  }
0x24: {  	s31 =	sshrl.u32 s18, $0x2;
	s18 =	simm.s32 $0x0;
	s16 =	sshrl.u32 s16, $0x2  }
0x25: {  	s15 =	sor.u32 $0x8000, s30;
	s17 =	sadd.s32 $0x20, s31;
	s16 =	sor.u32 $0x8000, s16  }
.LBB1_3:
0x26: {  	s19 =	sshll.u32 s18, $0xD  }
0x27: {  	s19 =	sand.u32 $0x3FFFE000, s19  }
0x28: {  	s21 =	sadd.s32 s19, s17  }
0x29: {  	s31 =	smul.u32 $0x8100, s18;
	v3 =	vld [tilespmem:s21+$0x10]  }
0x2a: {  	v1 =	vld [tilespmem:s21+$0xFFFFFFF0]  }
0x2b: {  	s18 =	sshra.s32 s31, $0x2;
	v0 =	vld [tilespmem:s21+$0x0]  }
0x2c: {  	s18 =	sadd.s32 s18, s16;
	v2 =	vld [tilespmem:s21+$0xFFFFFFE0]  }
0x2d: {  	s19 =	sadd.s32 $0x0, s18  }
0x2e: {  	p1 =	por p2, p2;
	s20 =	simm.s32 $0x4;
	s21 =	sadd.s32 $0x40, s21;
	[tilespmem:s19+$0x1830 ss:$0x81] =	vst.msk $0xffff, v3  }
.LBB1_4:
0x2f: {  	v3 =	vld [tilespmem:s21+$0x10];
	p2 =	sne.s32 s20, $0x1FC;
	[tilespmem:s19+$0x810 ss:$0x81] =	vst.msk $0xffff, v1;
	s22 =	smov.u32 s20;
	s20 =	sadd.s32 $0x4, s20  }
.Ltmp3:
0x30: {  	v1 =	vld [tilespmem:s21+$0xFFFFFFF0];
	[tilespmem:s19+$0x1020 ss:$0x81] =	vst.msk $0xffff, v0;
	(pc) =	sbr.rel @p2 .LBB1_4-.Ltmp3, $4  }
0x31: {  	v0 =	vld [tilespmem:s21+$0x0];
	[tilespmem:s19+$0x0 ss:$0x81] =	vst.msk $0xffff, v2  }
0x32: {  	s19 =	sshra.s32 s22, $0x2;
	v2 =	vld [tilespmem:s21+$0xFFFFFFE0]  }
0x33: {  	s19 =	sadd.s32 s19, s18  }
0x34: {  	s21 =	sadd.s32 $0x40, s21;
	[tilespmem:s19+$0x1830 ss:$0x81] =	vst.msk $0xffff, v3  }
.Ltmp4:
0x35: {  	(pc) =	sbr.rel @p1 .LBB1_3-.Ltmp4, $4  }
0x36: {  	_ = 	snop  }
0x37: {  	[tilespmem:s19+$0x810 ss:$0x81] =	vst.msk $0xffff, v1  }
0x38: {  	[tilespmem:s19+$0x1020 ss:$0x81] =	vst.msk $0xffff, v0  }
0x39: {  	s18 =	simm.s32 $0x1;
	p2 =	por $0x0, $0x0;
	[tilespmem:s19+$0x0 ss:$0x81] =	vst.msk $0xffff, v2  }
.Ltmp5:
0x3a: {  	(pc) =	sbr.rel .LBB1_7-.Ltmp5, $4  }
0x3b: {  	s14 =	sshll.u32 s14, $0xF  }
0x3c: {  	s14 =	sadd.s32 s3, s14  }
0x3d: {  	s13 =	sadd.s32 s13, s14  }
0x3e: {  	[hbm4b:s13+s9] =	stream.strided.scatter [tilespmem:s15], [sflag:$0x2], $0x4000, s10, s9, $0x20;
	[tilespmem:$0x10100] =	vst v63  }
.LBB1_8:
0x3f: {  	_ =	sfence.sel $0x180000  }
0x40: {  	s2 =	simm.s32 $0x1;
	[bflag:$0x0] =	sbarrier.arrive $0xFFFF  }
0x41: {  	s31 =	simm.s32 $0x2;
	[sflag:s2] =	ssyncpa.u1 $0x1  }
0x42: {  	[sflag:s31] =	ssyncpa.u1 $0x1  }
0x43: {  	p0 =	sne.s32 s0, $0x0;
	_ =	strace $0x9000004A  }
0x44: {  	s0 =	sadd.s32 @!p0 $0x100000, s1;
	[bflag:$0x2] =	sbarrier.arrive $0xFFFF  }
0x45: {  	[sflag:s0] =	ssyncadd.tile.s32 @!p0 $0x1;
	_ =	shalt  }
.Lfunc_end1:
_tile_overlayer_lowered:
.L_overlay_start_2:
0x46: {  	(tag) =	ssettag $0x2  }
0x47: {  	s0 =	rddreg [dreg:$0x0];
	s2 =	stileid.u32  }
0x48: {  	s1 =	rddreg [dreg:$0x1];
	p0 =	sne.s32 s2, $0x0  }
0x49: {  	s3 =	rddreg [dreg:$0x2];
	[bflag:$0x3] =	sbarrier.arrive $0xFFFF;
	s2 =	simm.s32 @!p0 $0x1C01  }
0x4a: {  	[timem:s3], [sflag:s2] =	dma.local @!p0 [hbm:s0], s1  }
0x4b: {  	s0 =	simm.s32 @!p0 $0x1  }
0x4c: {  	_ =	swait.ge @!p0 [sflag:s0], s1  }
0x4d: {  	s1 =	ssub.s32 @!p0 $0x0, s1;
	[sflag:s0] =	ssyncset.done @!p0 $0x0  }
0x4e: {  	[sflag:s0] =	ssyncadd.s32 @!p0 s1  }
0x4f: {  	[bflag:$0x3] =	sbarrier.arrive $0xFFFF  }
0x50: {  	_ =	shalt  }

</sc_bundles>
